<compile_context>
chip_gen: v7x
topology: tpu7x:2x2x1
jax: 0.10.2.dev20260603
libtpu: 0.0.44.dev20260713+nightly
codegen_flags: <defaults>
</compile_context>

<pallas_src>
import functools

import jax
import jax.numpy as jnp
from jax import lax
from jax.experimental import pallas as pl
from jax.experimental.pallas import tpu as pltpu
from jax.experimental.pallas import tpu_sc as plsc

_NUM_EMB = 1000000
_D = 32
_NW = 32
_L = 16


@functools.lru_cache(maxsize=None)
def _build_permute(T, J):
    TPW = T // _NW
    BPW = TPW * J
    mesh = plsc.VectorSubcoreMesh(core_axis_name="c", subcore_axis_name="s")

    @functools.partial(
        pl.kernel,
        out_type=jax.ShapeDtypeStruct((T * J,), jnp.int32),
        mesh=mesh,
        scratch_types=[
            pltpu.VMEM((J, TPW), jnp.int32),
            pltpu.VMEM((BPW,), jnp.int32),
        ],
        compiler_params=pltpu.CompilerParams(
            use_tc_tiling_on_sc=True, needs_layout_passes=False
        ),
    )
    def k0(xt_hbm, xp_hbm, slab, flat):
        wid = lax.axis_index("s") * 2 + lax.axis_index("c")
        pltpu.sync_copy(xt_hbm.at[:, pl.ds(wid * TPW, TPW)], slab)

        def body(i, carry):
            j = i // (TPW // _L)
            g = i % (TPW // _L)
            v = slab[j, pl.ds(g * _L, _L)]
            v = jnp.minimum(jnp.maximum(v, 0), _NUM_EMB - 1)
            flat[pl.ds(j * TPW + g * _L, _L)] = v
            return carry

        lax.fori_loop(0, J * (TPW // _L), body, 0)
        pltpu.sync_copy(flat, xp_hbm.at[pl.ds(wid * BPW, BPW)])

    return k0


@functools.lru_cache(maxsize=None)
def _build_gather(T, J):
    B = T * J
    TPW = T // _NW
    BPW = B // _NW
    NCH = J
    CC = TPW // 128
    NR = _D // 8
    ZW = TPW * _D
    assert TPW % 128 == 0 and NCH % 2 == 0 and NCH >= 6

    mesh = plsc.VectorSubcoreMesh(core_axis_name="c", subcore_axis_name="s")

    @functools.partial(
        pl.kernel,
        out_type=jax.ShapeDtypeStruct((B * _D,), jnp.float32),
        mesh=mesh,
        scratch_types=[
            pltpu.VMEM((BPW,), jnp.int32),
            *[pltpu.VMEM((TPW, _D), jnp.float32) for _ in range(2)],
            *[pltpu.VMEM((ZW,), jnp.float32) for _ in range(2)],
            *[pltpu.SemaphoreType.DMA for _ in range(4)],
        ],
        compiler_params=pltpu.CompilerParams(
            use_tc_tiling_on_sc=False, needs_layout_passes=False
        ),
    )
    def k1(x_hbm, tab_hbm, out_hbm, idx_v, *rest):
        bufs = rest[0:2]
        zbufs = rest[2:4]
        gsems = rest[4:6]
        wsems = rest[6:8]

        wid = lax.axis_index("s") * 2 + lax.axis_index("c")
        base = wid * BPW
        pltpu.sync_copy(x_hbm.at[pl.ds(base, BPW)], idx_v)

        lane = lax.iota(jnp.int32, 16)
        q = (lane // 8) * (CC * 1024) + (lane % 8) * 128

        def fire_gather(c, b):
            pltpu.async_copy(
                tab_hbm.at[idx_v.at[pl.ds(c * TPW, TPW)]], bufs[b], gsems[b]
            )

        def wait_gather(b):
            pltpu.make_async_copy(
                tab_hbm.at[idx_v.at[pl.ds(0, TPW)]], bufs[b], gsems[b]
            ).wait()

        def fire_writes(c, b):
            for r in range(NR):
                off = ((c * NR + r) * (T // 128) + wid * CC) * 1024
                pltpu.async_copy(
                    zbufs[b].at[pl.ds(r * (CC * 1024), CC * 1024)],
                    out_hbm.at[pl.ds(off, CC * 1024)],
                    wsems[b],
                )

        def wait_writes(b):
            for r in range(NR):
                pltpu.make_async_copy(
                    zbufs[b].at[pl.ds(0, CC * 1024)],
                    out_hbm.at[pl.ds(0, CC * 1024)],
                    wsems[b],
                ).wait()

        def transpose_chunk(b):
            rows = bufs[b]
            z = zbufs[b]

            def outer(cc, carry):
                def inner(l, carry2):
                    t = cc * 128 + l
                    for h in range(2):
                        addr = q + (h * (2 * CC * 1024) + cc * 1024 + l)
                        v = rows[t, pl.ds(16 * h, 16)]
                        plsc.store_scatter(z, [addr], v)
                    return carry2

                lax.fori_loop(0, 128, inner, 0)
                return carry

            lax.fori_loop(0, CC, outer, 0)

        fire_gather(0, 0)
        fire_gather(1, 1)
        for c in (0, 1):
            wait_gather(c)
            transpose_chunk(c)
            fire_gather(c + 2, c)
            fire_writes(c, c)

        def round_body(p, carry):
            for b in (0, 1):
                c = 2 * p + b
                wait_gather(b)
                wait_writes(b)
                transpose_chunk(b)

                @pl.when(c + 2 < NCH)
                def _():
                    fire_gather(c + 2, b)

                fire_writes(c, b)
            return carry

        lax.fori_loop(1, NCH // 2, round_body, 0)
        for b in (0, 1):
            wait_writes(b)

    return k1


def kernel(x, embedding_table):
    T, J = x.shape
    xp = _build_permute(T, J)(jnp.transpose(x).astype(jnp.int32))
    rr = lax.optimization_barrier(
        jnp.reshape(embedding_table, (_NUM_EMB * _D // 128, 128))
    )
    rt = jnp.reshape(rr, (_NUM_EMB, _D))
    z = _build_gather(T, J)(xp, rt)
    z5 = jnp.reshape(z, (J, _D // 8, T // 128, 8, 128))
    return jnp.transpose(z5, (2, 4, 0, 1, 3)).reshape(T, J, _D)

# --- scband reference (transcript-rebuilt; emitter-appended) ---
"""Pipeline reference for scband-embedding-26671746908628 (READ-ONLY COPY).

The authoritative reference and input builder live on the scoring server;
editing this copy changes nothing except your own understanding.
"""

import jax, jax.numpy as jnp
import numpy as np

NUM_EMBEDDINGS = 1000000
EMBEDDING_DIM = 32


def setup_inputs(seed: int = 0) -> dict:
    key = jax.random.key(seed)
    k_idx, k_tab = jax.random.split(key)
    x = jax.random.randint(k_idx, (16384, 26), 0, NUM_EMBEDDINGS, dtype=jnp.int64)
    # trunc_normal_(mean=0, std=1, a=-3, b=3)
    table = jax.random.truncated_normal(k_tab, -3.0, 3.0, (NUM_EMBEDDINGS, EMBEDDING_DIM), dtype=jnp.float32)
    return {"x": x, "embedding_table": table}


def reference(x, embedding_table):
    idx = jnp.clip(x, 0, NUM_EMBEDDINGS - 1)
    return jnp.take(embedding_table, idx, axis=0)

if __name__ == "__main__":
    import jax
    _d = setup_inputs()
    print(jax.jit(kernel)(*tuple(_d.values())))

</pallas_src>

<mosaic_0001>
#map = affine_map<(d0, d1) -> (0, 0)>
#map1 = affine_map<(d0, d1) -> (0)>
module attributes {stable_mosaic.version = 14 : i64} {
  func.func @k0(%arg0: i32, %arg1: i32, %arg2: memref<26x16384xi32, #tpu.memory_space<hbm>>, %arg3: memref<425984xi32, #tpu.memory_space<hbm>>, %arg4: memref<26x512xi32, #tpu.memory_space<vmem>>, %arg5: memref<13312xi32, #tpu.memory_space<vmem>>) attributes {dimension_semantics = [#tpu.dimension_semantics<core_parallel>, #tpu.dimension_semantics<subcore_parallel>], iteration_bounds = array<i64: 2, 16>, scalar_prefetch = 0 : i64, scratch_operands = 2 : i64, tpu.core_type = #tpu.core_type<sc_vector_subcore>, window_params = [{transform_indices = #map}, {transform_indices = #map1}]} {
    %mul3A = arith.constant 2 : i32
    %mul3A_0 = arith.muli %arg1, %mul3A : i32
    %add3A = arith.addi %mul3A_0, %arg0 : i32
    %mul3A_1 = arith.constant 512 : i32
    %mul3A_2 = arith.muli %add3A, %mul3A_1 : i32
    "tpu.region"() ({
      %run_scoped3A = tpu.sem_alloc : memref<!tpu.dma_semaphore, #tpu.memory_space<semaphore_mem>>
      %dma_start3A = arith.constant 0 : i32
      %dma_start3A_10 = tpu.memref_slice %arg2[%dma_start3A, %mul3A_2] : memref<26x16384xi32, #tpu.memory_space<hbm>> -> memref<26x512xi32, #tpu.memory_space<hbm>>
      %dma_start3A_11 = arith.constant 0 : i32
      %dma_start3A_12 = tpu.memref_slice %arg2[%dma_start3A_11, %mul3A_2] : memref<26x16384xi32, #tpu.memory_space<hbm>> -> memref<26x512xi32, #tpu.memory_space<hbm>>
      tpu.enqueue_dma source(%dma_start3A_12 : memref<26x512xi32, #tpu.memory_space<hbm>>) target(%arg4 : memref<26x512xi32, #tpu.memory_space<vmem>>) target_semaphore(%run_scoped3A : memref<!tpu.dma_semaphore, #tpu.memory_space<semaphore_mem>>)
      %dma_wait3A = arith.constant 0 : i32
      %dma_wait3A_13 = tpu.memref_slice %arg2[%dma_wait3A, %mul3A_2] : memref<26x16384xi32, #tpu.memory_space<hbm>> -> memref<26x512xi32, #tpu.memory_space<hbm>>
      %dma_wait3A_14 = arith.constant 0 : i32
      %dma_wait3A_15 = tpu.memref_slice %arg2[%dma_wait3A_14, %mul3A_2] : memref<26x16384xi32, #tpu.memory_space<hbm>> -> memref<26x512xi32, #tpu.memory_space<hbm>>
      tpu.wait_dma2 semaphore(%run_scoped3A : memref<!tpu.dma_semaphore, #tpu.memory_space<semaphore_mem>>) src(%dma_wait3A_15 : memref<26x512xi32, #tpu.memory_space<hbm>>) dst(%arg4 : memref<26x512xi32, #tpu.memory_space<vmem>>)
      tpu.yield
    }) : () -> ()
    %scan3A = arith.constant 0 : i32
    %scan3A_3 = arith.constant 0 : i32
    %scan3A_4 = arith.constant 832 : i32
    %scan3A_5 = arith.addi %scan3A_3, %scan3A_4 : i32
    %scan3A_6 = arith.constant 1 : i32
    scf.for %scan3A_10 = %scan3A_3 to %scan3A_5 step %scan3A_6  : i32 {
      %jit3A = arith.constant 32 : i32
      %div3A = arith.divsi %scan3A_10, %jit3A : i32
      %sign3A = arith.constant 0 : i32
      %sign3A_11 = arith.cmpi sgt, %scan3A_10, %sign3A : i32
      %sign3A_12 = arith.extui %sign3A_11 : i1 to i32
      %sign3A_13 = arith.constant 0 : i32
      %sign3A_14 = arith.cmpi slt, %scan3A_10, %sign3A_13 : i32
      %sign3A_15 = arith.extui %sign3A_14 : i1 to i32
      %sign3A_16 = arith.subi %sign3A_12, %sign3A_15 : i32
      %sign3A_17 = arith.constant 0 : i32
      %sign3A_18 = arith.cmpi sgt, %jit3A, %sign3A_17 : i32
      %sign3A_19 = arith.extui %sign3A_18 : i1 to i32
      %sign3A_20 = arith.constant 0 : i32
      %sign3A_21 = arith.cmpi slt, %jit3A, %sign3A_20 : i32
      %sign3A_22 = arith.extui %sign3A_21 : i1 to i32
      %sign3A_23 = arith.subi %sign3A_19, %sign3A_22 : i32
      %ne3A = arith.cmpi ne, %sign3A_16, %sign3A_23 : i32
      %rem3A = arith.remsi %scan3A_10, %jit3A : i32
      %ne3A_24 = arith.constant 0 : i32
      %ne3A_25 = arith.cmpi ne, %rem3A, %ne3A_24 : i32
      %and3A = arith.andi %ne3A, %ne3A_25 : i1
      %sub3A = arith.constant 1 : i32
      %sub3A_26 = arith.subi %div3A, %sub3A : i32
      %select_n3A = arith.select %and3A, %sub3A_26, %div3A : i32
      %jit3A_27 = arith.constant 32 : i32
      %eq3A = arith.constant 0 : i32
      %eq3A_28 = arith.cmpi eq, %jit3A_27, %eq3A : i32
      %jit3A_29 = arith.constant 1 : i32
      %select_n3A_30 = arith.select %eq3A_28, %jit3A_29, %jit3A_27 : i32
      %rem3A_31 = arith.remsi %scan3A_10, %select_n3A_30 : i32
      %ne3A_32 = arith.constant 0 : i32
      %ne3A_33 = arith.cmpi ne, %rem3A_31, %ne3A_32 : i32
      %lt3A = arith.constant 0 : i32
      %lt3A_34 = arith.cmpi slt, %rem3A_31, %lt3A : i32
      %lt3A_35 = arith.constant 0 : i32
      %lt3A_36 = arith.cmpi slt, %select_n3A_30, %lt3A_35 : i32
      %ne3A_37 = arith.xori %lt3A_34, %lt3A_36 : i1
      %and3A_38 = arith.andi %ne3A_37, %ne3A_33 : i1
      %add3A_39 = arith.addi %rem3A_31, %select_n3A_30 : i32
      %select_n3A_40 = arith.select %and3A_38, %add3A_39, %rem3A_31 : i32
      %mul3A_41 = arith.constant 16 : i32
      %mul3A_42 = arith.muli %select_n3A_40, %mul3A_41 : i32
      %get3A = arith.index_cast %select_n3A : i32 to index
      %get3A_43 = arith.index_cast %mul3A_42 : i32 to index
      %get3A_44 = tpu.vector_load %arg4[%get3A, %get3A_43] {strides = array<i32>} : memref<26x512xi32, #tpu.memory_space<vmem>>, vector<16xi32>,
      %max3A = arith.constant 0 : i32
      %max3A_45 = vector.broadcast %max3A : i32 to vector<16xi32>
      %max3A_46 = arith.maxsi %get3A_44, %max3A_45 : vector<16xi32>
      %min3A = arith.constant 999999 : i32
      %min3A_47 = vector.broadcast %min3A : i32 to vector<16xi32>
      %min3A_48 = arith.minsi %max3A_46, %min3A_47 : vector<16xi32>
      %mul3A_49 = arith.constant 512 : i32
      %mul3A_50 = arith.muli %select_n3A, %mul3A_49 : i32
      %mul3A_51 = arith.constant 16 : i32
      %mul3A_52 = arith.muli %select_n3A_40, %mul3A_51 : i32
      %add3A_53 = arith.addi %mul3A_50, %mul3A_52 : i32
      %swap3A = arith.index_cast %add3A_53 : i32 to index
      %swap3A_54 = tpu.vector_load %arg5[%swap3A] {strides = array<i32>} : memref<13312xi32, #tpu.memory_space<vmem>>, vector<16xi32>,
      tpu.vector_store %arg5[%swap3A], %min3A_48 {strides = array<i32>} : memref<13312xi32, #tpu.memory_space<vmem>>, vector<16xi32>,
    }
    %scan3A_7 = arith.constant 832 : i32
    %mul3A_8 = arith.constant 13312 : i32
    %mul3A_9 = arith.muli %add3A, %mul3A_8 : i32
    "tpu.region"() ({
      %run_scoped3A = tpu.sem_alloc : memref<!tpu.dma_semaphore, #tpu.memory_space<semaphore_mem>>
      %dma_start3A = tpu.memref_slice %arg3[%mul3A_9] : memref<425984xi32, #tpu.memory_space<hbm>> -> memref<13312xi32, #tpu.memory_space<hbm>>
      %dma_start3A_10 = tpu.memref_slice %arg3[%mul3A_9] : memref<425984xi32, #tpu.memory_space<hbm>> -> memref<13312xi32, #tpu.memory_space<hbm>>
      tpu.enqueue_dma source(%arg5 : memref<13312xi32, #tpu.memory_space<vmem>>) target(%dma_start3A_10 : memref<13312xi32, #tpu.memory_space<hbm>>) target_semaphore(%run_scoped3A : memref<!tpu.dma_semaphore, #tpu.memory_space<semaphore_mem>>)
      %dma_wait3A = tpu.memref_slice %arg3[%mul3A_9] : memref<425984xi32, #tpu.memory_space<hbm>> -> memref<13312xi32, #tpu.memory_space<hbm>>
      %dma_wait3A_11 = tpu.memref_slice %arg3[%mul3A_9] : memref<425984xi32, #tpu.memory_space<hbm>> -> memref<13312xi32, #tpu.memory_space<hbm>>
      tpu.wait_dma2 semaphore(%run_scoped3A : memref<!tpu.dma_semaphore, #tpu.memory_space<semaphore_mem>>) src(%arg5 : memref<13312xi32, #tpu.memory_space<vmem>>) dst(%dma_wait3A_11 : memref<13312xi32, #tpu.memory_space<hbm>>)
      tpu.yield
    }) : () -> ()
    return
  }
}

#map = affine_map<(d0, d1) -> (0)>
#map1 = affine_map<(d0, d1) -> (0, 0)>
module attributes {stable_mosaic.version = 14 : i64} {
  func.func @k1(%arg0: i32, %arg1: i32, %arg2: memref<425984xi32, #tpu.memory_space<hbm>>, %arg3: memref<1000000x32xf32, #tpu.memory_space<hbm>>, %arg4: memref<13631488xf32, #tpu.memory_space<hbm>>, %arg5: memref<13312xi32, #tpu.memory_space<vmem>>, %arg6: memref<512x32xf32, #tpu.memory_space<vmem>>, %arg7: memref<512x32xf32, #tpu.memory_space<vmem>>, %arg8: memref<16384xf32, #tpu.memory_space<vmem>>, %arg9: memref<16384xf32, #tpu.memory_space<vmem>>, %arg10: memref<!tpu.dma_semaphore, #tpu.memory_space<semaphore_mem>>, %arg11: memref<!tpu.dma_semaphore, #tpu.memory_space<semaphore_mem>>, %arg12: memref<!tpu.dma_semaphore, #tpu.memory_space<semaphore_mem>>, %arg13: memref<!tpu.dma_semaphore, #tpu.memory_space<semaphore_mem>>) attributes {dimension_semantics = [#tpu.dimension_semantics<core_parallel>, #tpu.dimension_semantics<subcore_parallel>], iteration_bounds = array<i64: 2, 16>, scalar_prefetch = 0 : i64, scratch_operands = 9 : i64, tpu.core_type = #tpu.core_type<sc_vector_subcore>, window_params = [{transform_indices = #map}, {transform_indices = #map1}, {transform_indices = #map}]} {
    %mul3A = arith.constant 2 : i32
    %mul3A_0 = arith.muli %arg1, %mul3A : i32
    %add3A = arith.addi %mul3A_0, %arg0 : i32
    %mul3A_1 = arith.constant 13312 : i32
    %mul3A_2 = arith.muli %add3A, %mul3A_1 : i32
    "tpu.region"() ({
      %run_scoped3A = tpu.sem_alloc : memref<!tpu.dma_semaphore, #tpu.memory_space<semaphore_mem>>
      %dma_start3A_258 = tpu.memref_slice %arg2[%mul3A_2] : memref<425984xi32, #tpu.memory_space<hbm>> -> memref<13312xi32, #tpu.memory_space<hbm>>
      %dma_start3A_259 = tpu.memref_slice %arg2[%mul3A_2] : memref<425984xi32, #tpu.memory_space<hbm>> -> memref<13312xi32, #tpu.memory_space<hbm>>
      tpu.enqueue_dma source(%dma_start3A_259 : memref<13312xi32, #tpu.memory_space<hbm>>) target(%arg5 : memref<13312xi32, #tpu.memory_space<vmem>>) target_semaphore(%run_scoped3A : memref<!tpu.dma_semaphore, #tpu.memory_space<semaphore_mem>>)
      %dma_wait3A_260 = tpu.memref_slice %arg2[%mul3A_2] : memref<425984xi32, #tpu.memory_space<hbm>> -> memref<13312xi32, #tpu.memory_space<hbm>>
      %dma_wait3A_261 = tpu.memref_slice %arg2[%mul3A_2] : memref<425984xi32, #tpu.memory_space<hbm>> -> memref<13312xi32, #tpu.memory_space<hbm>>
      tpu.wait_dma2 semaphore(%run_scoped3A : memref<!tpu.dma_semaphore, #tpu.memory_space<semaphore_mem>>) src(%dma_wait3A_261 : memref<13312xi32, #tpu.memory_space<hbm>>) dst(%arg5 : memref<13312xi32, #tpu.memory_space<vmem>>)
      tpu.yield
    }) : () -> ()
    %iota3A = tpu.iota {dimensions = array<i32: 0>} : vector<16xi32>
    %jit3A = arith.constant 8 : i32
    %div3A = vector.broadcast %jit3A : i32 to vector<16xi32>
    %div3A_3 = arith.divsi %iota3A, %div3A : vector<16xi32>
    %sign3A = arith.constant 0 : i32
    %sign3A_4 = vector.broadcast %sign3A : i32 to vector<16xi32>
    %sign3A_5 = arith.cmpi sgt, %iota3A, %sign3A_4 : vector<16xi32>
    %sign3A_6 = arith.extui %sign3A_5 : vector<16xi1> to vector<16xi32>
    %sign3A_7 = arith.constant 0 : i32
    %sign3A_8 = vector.broadcast %sign3A_7 : i32 to vector<16xi32>
    %sign3A_9 = arith.cmpi slt, %iota3A, %sign3A_8 : vector<16xi32>
    %sign3A_10 = arith.extui %sign3A_9 : vector<16xi1> to vector<16xi32>
    %sign3A_11 = arith.subi %sign3A_6, %sign3A_10 : vector<16xi32>
    %sign3A_12 = arith.constant 0 : i32
    %sign3A_13 = arith.cmpi sgt, %jit3A, %sign3A_12 : i32
    %sign3A_14 = arith.extui %sign3A_13 : i1 to i32
    %sign3A_15 = arith.constant 0 : i32
    %sign3A_16 = arith.cmpi slt, %jit3A, %sign3A_15 : i32
    %sign3A_17 = arith.extui %sign3A_16 : i1 to i32
    %sign3A_18 = arith.subi %sign3A_14, %sign3A_17 : i32
    %ne3A = vector.broadcast %sign3A_18 : i32 to vector<16xi32>
    %ne3A_19 = arith.cmpi ne, %sign3A_11, %ne3A : vector<16xi32>
    %rem3A = vector.broadcast %jit3A : i32 to vector<16xi32>
    %rem3A_20 = arith.remsi %iota3A, %rem3A : vector<16xi32>
    %ne3A_21 = arith.constant 0 : i32
    %ne3A_22 = vector.broadcast %ne3A_21 : i32 to vector<16xi32>
    %ne3A_23 = arith.cmpi ne, %rem3A_20, %ne3A_22 : vector<16xi32>
    %and3A = arith.andi %ne3A_19, %ne3A_23 : vector<16xi1>
    %sub3A = arith.constant 1 : i32
    %sub3A_24 = vector.broadcast %sub3A : i32 to vector<16xi32>
    %sub3A_25 = arith.subi %div3A_3, %sub3A_24 : vector<16xi32>
    %select_n3A = arith.select %and3A, %sub3A_25, %div3A_3 : vector<16xi1>, vector<16xi32>
    %mul3A_26 = arith.constant 4096 : i32
    %mul3A_27 = vector.broadcast %mul3A_26 : i32 to vector<16xi32>
    %mul3A_28 = arith.muli %select_n3A, %mul3A_27 : vector<16xi32>
    %jit3A_29 = arith.constant 8 : i32
    %eq3A = arith.constant 0 : i32
    %eq3A_30 = arith.cmpi eq, %jit3A_29, %eq3A : i32
    %jit3A_31 = arith.constant 1 : i32
    %select_n3A_32 = arith.select %eq3A_30, %jit3A_31, %jit3A_29 : i32
    %rem3A_33 = vector.broadcast %select_n3A_32 : i32 to vector<16xi32>
    %rem3A_34 = arith.remsi %iota3A, %rem3A_33 : vector<16xi32>
    %ne3A_35 = arith.constant 0 : i32
    %ne3A_36 = vector.broadcast %ne3A_35 : i32 to vector<16xi32>
    %ne3A_37 = arith.cmpi ne, %rem3A_34, %ne3A_36 : vector<16xi32>
    %lt3A = arith.constant 0 : i32
    %lt3A_38 = vector.broadcast %lt3A : i32 to vector<16xi32>
    %lt3A_39 = arith.cmpi slt, %rem3A_34, %lt3A_38 : vector<16xi32>
    %lt3A_40 = arith.constant 0 : i32
    %lt3A_41 = arith.cmpi slt, %select_n3A_32, %lt3A_40 : i32
    %ne3A_42 = vector.broadcast %lt3A_41 : i1 to vector<16xi1>
    %ne3A_43 = vector.broadcast %ne3A_42 : vector<16xi1> to vector<16xi1>
    %ne3A_44 = arith.xori %lt3A_39, %ne3A_43 : vector<16xi1>
    %and3A_45 = arith.andi %ne3A_44, %ne3A_37 : vector<16xi1>
    %add3A_46 = vector.broadcast %select_n3A_32 : i32 to vector<16xi32>
    %add3A_47 = arith.addi %rem3A_34, %add3A_46 : vector<16xi32>
    %select_n3A_48 = arith.select %and3A_45, %add3A_47, %rem3A_34 : vector<16xi1>, vector<16xi32>
    %mul3A_49 = arith.constant 128 : i32
    %mul3A_50 = vector.broadcast %mul3A_49 : i32 to vector<16xi32>
    %mul3A_51 = arith.muli %select_n3A_48, %mul3A_50 : vector<16xi32>
    %add3A_52 = arith.addi %mul3A_28, %mul3A_51 : vector<16xi32>
    %dma_start3A = arith.constant 0 : i32
    %dma_start3A_53 = tpu.memref_slice %arg5[%dma_start3A] : memref<13312xi32, #tpu.memory_space<vmem>> -> memref<512xi32, #tpu.memory_space<vmem>>
    %dma_start3A_54 = arith.constant 0 : i32
    %dma_start3A_55 = arith.constant 0 : i32
    %dma_start3A_56 = tpu.memref_slice %arg3[%dma_start3A_54, %dma_start3A_55] : memref<1000000x32xf32, #tpu.memory_space<hbm>> -> memref<1000000x32xf32, #tpu.memory_space<hbm>>
    tpu.enqueue_indirect_dma source(%dma_start3A_56 : memref<1000000x32xf32, #tpu.memory_space<hbm>>) target(%arg6 : memref<512x32xf32, #tpu.memory_space<vmem>>) offsets(%dma_start3A_53 : memref<512xi32, #tpu.memory_space<vmem>>) semaphore(%arg10 : memref<!tpu.dma_semaphore, #tpu.memory_space<semaphore_mem>>)
    %dma_start3A_57 = arith.constant 512 : i32
    %dma_start3A_58 = tpu.memref_slice %arg5[%dma_start3A_57] : memref<13312xi32, #tpu.memory_space<vmem>> -> memref<512xi32, #tpu.memory_space<vmem>>
    %dma_start3A_59 = arith.constant 0 : i32
    %dma_start3A_60 = arith.constant 0 : i32
    %dma_start3A_61 = tpu.memref_slice %arg3[%dma_start3A_59, %dma_start3A_60] : memref<1000000x32xf32, #tpu.memory_space<hbm>> -> memref<1000000x32xf32, #tpu.memory_space<hbm>>
    tpu.enqueue_indirect_dma source(%dma_start3A_61 : memref<1000000x32xf32, #tpu.memory_space<hbm>>) target(%arg7 : memref<512x32xf32, #tpu.memory_space<vmem>>) offsets(%dma_start3A_58 : memref<512xi32, #tpu.memory_space<vmem>>) semaphore(%arg11 : memref<!tpu.dma_semaphore, #tpu.memory_space<semaphore_mem>>)
    %dma_wait3A = arith.constant 0 : i32
    %dma_wait3A_62 = tpu.memref_slice %arg5[%dma_wait3A] : memref<13312xi32, #tpu.memory_space<vmem>> -> memref<512xi32, #tpu.memory_space<vmem>>
    %dma_wait3A_63 = arith.constant 0 : i32
    %dma_wait3A_64 = arith.constant 0 : i32
    %dma_wait3A_65 = tpu.memref_slice %arg3[%dma_wait3A_63, %dma_wait3A_64] : memref<1000000x32xf32, #tpu.memory_space<hbm>> -> memref<1000000x32xf32, #tpu.memory_space<hbm>>
    tpu.wait_indirect_dma semaphore(%arg10 : memref<!tpu.dma_semaphore, #tpu.memory_space<semaphore_mem>>) src(%dma_wait3A_65 : memref<1000000x32xf32, #tpu.memory_space<hbm>>) dst(%arg6 : memref<512x32xf32, #tpu.memory_space<vmem>>)
    %scan3A = arith.constant 0 : i32
    %scan3A_66 = arith.constant 0 : i32
    %scan3A_67 = arith.constant 4 : i32
    %scan3A_68 = arith.addi %scan3A_66, %scan3A_67 : i32
    %scan3A_69 = arith.constant 1 : i32
    scf.for %scan3A_258 = %scan3A_66 to %scan3A_68 step %scan3A_69  : i32 {
      %scan3A_259 = arith.constant 0 : i32
      %scan3A_260 = arith.constant 0 : i32
      %scan3A_261 = arith.constant 128 : i32
      %scan3A_262 = arith.addi %scan3A_260, %scan3A_261 : i32
      %scan3A_263 = arith.constant 1 : i32
      scf.for %scan3A_265 = %scan3A_260 to %scan3A_262 step %scan3A_263  : i32 {
        %mul3A_266 = arith.constant 128 : i32
        %mul3A_267 = arith.muli %scan3A_258, %mul3A_266 : i32
        %add3A_268 = arith.addi %mul3A_267, %scan3A_265 : i32
        %mul3A_269 = arith.constant 1024 : i32
        %mul3A_270 = arith.muli %scan3A_258, %mul3A_269 : i32
        %add3A_271 = arith.constant 0 : i32
        %add3A_272 = arith.addi %add3A_271, %mul3A_270 : i32
        %add3A_273 = arith.addi %add3A_272, %scan3A_265 : i32
        %add3A_274 = vector.broadcast %add3A_273 : i32 to vector<16xi32>
        %add3A_275 = arith.addi %add3A_52, %add3A_274 : vector<16xi32>
        %get3A = arith.index_cast %add3A_268 : i32 to index
        %get3A_276 = arith.constant 0 : index
        %get3A_277 = tpu.vector_load %arg6[%get3A, %get3A_276] {strides = array<i32>} : memref<512x32xf32, #tpu.memory_space<vmem>>, vector<16xf32>,
        tpu.vector_store_idx %arg8[%add3A_275], %get3A_277 : memref<16384xf32, #tpu.memory_space<vmem>>[vector<16xi32>], vector<16xf32>,
        %mul3A_278 = arith.constant 1024 : i32
        %mul3A_279 = arith.muli %scan3A_258, %mul3A_278 : i32
        %add3A_280 = arith.constant 8192 : i32
        %add3A_281 = arith.addi %add3A_280, %mul3A_279 : i32
        %add3A_282 = arith.addi %add3A_281, %scan3A_265 : i32
        %add3A_283 = vector.broadcast %add3A_282 : i32 to vector<16xi32>
        %add3A_284 = arith.addi %add3A_52, %add3A_283 : vector<16xi32>
        %get3A_285 = arith.index_cast %add3A_268 : i32 to index
        %get3A_286 = arith.constant 16 : index
        %get3A_287 = tpu.vector_load %arg6[%get3A_285, %get3A_286] {strides = array<i32>} : memref<512x32xf32, #tpu.memory_space<vmem>>, vector<16xf32>,
        tpu.vector_store_idx %arg8[%add3A_284], %get3A_287 : memref<16384xf32, #tpu.memory_space<vmem>>[vector<16xi32>], vector<16xf32>,
      }
      %scan3A_264 = arith.constant 128 : i32
    }
    %scan3A_70 = arith.constant 4 : i32
    %dma_start3A_71 = arith.constant 1024 : i32
    %dma_start3A_72 = tpu.memref_slice %arg5[%dma_start3A_71] : memref<13312xi32, #tpu.memory_space<vmem>> -> memref<512xi32, #tpu.memory_space<vmem>>
    %dma_start3A_73 = arith.constant 0 : i32
    %dma_start3A_74 = arith.constant 0 : i32
    %dma_start3A_75 = tpu.memref_slice %arg3[%dma_start3A_73, %dma_start3A_74] : memref<1000000x32xf32, #tpu.memory_space<hbm>> -> memref<1000000x32xf32, #tpu.memory_space<hbm>>
    tpu.enqueue_indirect_dma source(%dma_start3A_75 : memref<1000000x32xf32, #tpu.memory_space<hbm>>) target(%arg6 : memref<512x32xf32, #tpu.memory_space<vmem>>) offsets(%dma_start3A_72 : memref<512xi32, #tpu.memory_space<vmem>>) semaphore(%arg10 : memref<!tpu.dma_semaphore, #tpu.memory_space<semaphore_mem>>)
    %mul3A_76 = arith.constant 4 : i32
    %mul3A_77 = arith.muli %add3A, %mul3A_76 : i32
    %add3A_78 = arith.constant 0 : i32
    %add3A_79 = arith.addi %add3A_78, %mul3A_77 : i32
    %mul3A_80 = arith.constant 1024 : i32
    %mul3A_81 = arith.muli %add3A_79, %mul3A_80 : i32
    %dma_start3A_82 = arith.constant 0 : i32
    %dma_start3A_83 = tpu.memref_slice %arg8[%dma_start3A_82] : memref<16384xf32, #tpu.memory_space<vmem>> -> memref<4096xf32, #tpu.memory_space<vmem>>
    %dma_start3A_84 = tpu.memref_slice %arg4[%mul3A_81] : memref<13631488xf32, #tpu.memory_space<hbm>> -> memref<4096xf32, #tpu.memory_space<hbm>>
    %dma_start3A_85 = tpu.memref_slice %arg4[%mul3A_81] : memref<13631488xf32, #tpu.memory_space<hbm>> -> memref<4096xf32, #tpu.memory_space<hbm>>
    %dma_start3A_86 = arith.constant 0 : i32
    %dma_start3A_87 = tpu.memref_slice %arg8[%dma_start3A_86] : memref<16384xf32, #tpu.memory_space<vmem>> -> memref<4096xf32, #tpu.memory_space<vmem>>
    tpu.enqueue_dma source(%dma_start3A_87 : memref<4096xf32, #tpu.memory_space<vmem>>) target(%dma_start3A_85 : memref<4096xf32, #tpu.memory_space<hbm>>) target_semaphore(%arg12 : memref<!tpu.dma_semaphore, #tpu.memory_space<semaphore_mem>>)
    %mul3A_88 = arith.constant 4 : i32
    %mul3A_89 = arith.muli %add3A, %mul3A_88 : i32
    %add3A_90 = arith.constant 128 : i32
    %add3A_91 = arith.addi %add3A_90, %mul3A_89 : i32
    %mul3A_92 = arith.constant 1024 : i32
    %mul3A_93 = arith.muli %add3A_91, %mul3A_92 : i32
    %dma_start3A_94 = arith.constant 4096 : i32
    %dma_start3A_95 = tpu.memref_slice %arg8[%dma_start3A_94] : memref<16384xf32, #tpu.memory_space<vmem>> -> memref<4096xf32, #tpu.memory_space<vmem>>
    %dma_start3A_96 = tpu.memref_slice %arg4[%mul3A_93] : memref<13631488xf32, #tpu.memory_space<hbm>> -> memref<4096xf32, #tpu.memory_space<hbm>>
    %dma_start3A_97 = tpu.memref_slice %arg4[%mul3A_93] : memref<13631488xf32, #tpu.memory_space<hbm>> -> memref<4096xf32, #tpu.memory_space<hbm>>
    %dma_start3A_98 = arith.constant 4096 : i32
    %dma_start3A_99 = tpu.memref_slice %arg8[%dma_start3A_98] : memref<16384xf32, #tpu.memory_space<vmem>> -> memref<4096xf32, #tpu.memory_space<vmem>>
    tpu.enqueue_dma source(%dma_start3A_99 : memref<4096xf32, #tpu.memory_space<vmem>>) target(%dma_start3A_97 : memref<4096xf32, #tpu.memory_space<hbm>>) target_semaphore(%arg12 : memref<!tpu.dma_semaphore, #tpu.memory_space<semaphore_mem>>)
    %mul3A_100 = arith.constant 4 : i32
    %mul3A_101 = arith.muli %add3A, %mul3A_100 : i32
    %add3A_102 = arith.constant 256 : i32
    %add3A_103 = arith.addi %add3A_102, %mul3A_101 : i32
    %mul3A_104 = arith.constant 1024 : i32
    %mul3A_105 = arith.muli %add3A_103, %mul3A_104 : i32
    %dma_start3A_106 = arith.constant 8192 : i32
    %dma_start3A_107 = tpu.memref_slice %arg8[%dma_start3A_106] : memref<16384xf32, #tpu.memory_space<vmem>> -> memref<4096xf32, #tpu.memory_space<vmem>>
    %dma_start3A_108 = tpu.memref_slice %arg4[%mul3A_105] : memref<13631488xf32, #tpu.memory_space<hbm>> -> memref<4096xf32, #tpu.memory_space<hbm>>
    %dma_start3A_109 = tpu.memref_slice %arg4[%mul3A_105] : memref<13631488xf32, #tpu.memory_space<hbm>> -> memref<4096xf32, #tpu.memory_space<hbm>>
    %dma_start3A_110 = arith.constant 8192 : i32
    %dma_start3A_111 = tpu.memref_slice %arg8[%dma_start3A_110] : memref<16384xf32, #tpu.memory_space<vmem>> -> memref<4096xf32, #tpu.memory_space<vmem>>
    tpu.enqueue_dma source(%dma_start3A_111 : memref<4096xf32, #tpu.memory_space<vmem>>) target(%dma_start3A_109 : memref<4096xf32, #tpu.memory_space<hbm>>) target_semaphore(%arg12 : memref<!tpu.dma_semaphore, #tpu.memory_space<semaphore_mem>>)
    %mul3A_112 = arith.constant 4 : i32
    %mul3A_113 = arith.muli %add3A, %mul3A_112 : i32
    %add3A_114 = arith.constant 384 : i32
    %add3A_115 = arith.addi %add3A_114, %mul3A_113 : i32
    %mul3A_116 = arith.constant 1024 : i32
    %mul3A_117 = arith.muli %add3A_115, %mul3A_116 : i32
    %dma_start3A_118 = arith.constant 12288 : i32
    %dma_start3A_119 = tpu.memref_slice %arg8[%dma_start3A_118] : memref<16384xf32, #tpu.memory_space<vmem>> -> memref<4096xf32, #tpu.memory_space<vmem>>
    %dma_start3A_120 = tpu.memref_slice %arg4[%mul3A_117] : memref<13631488xf32, #tpu.memory_space<hbm>> -> memref<4096xf32, #tpu.memory_space<hbm>>
    %dma_start3A_121 = tpu.memref_slice %arg4[%mul3A_117] : memref<13631488xf32, #tpu.memory_space<hbm>> -> memref<4096xf32, #tpu.memory_space<hbm>>
    %dma_start3A_122 = arith.constant 12288 : i32
    %dma_start3A_123 = tpu.memref_slice %arg8[%dma_start3A_122] : memref<16384xf32, #tpu.memory_space<vmem>> -> memref<4096xf32, #tpu.memory_space<vmem>>
    tpu.enqueue_dma source(%dma_start3A_123 : memref<4096xf32, #tpu.memory_space<vmem>>) target(%dma_start3A_121 : memref<4096xf32, #tpu.memory_space<hbm>>) target_semaphore(%arg12 : memref<!tpu.dma_semaphore, #tpu.memory_space<semaphore_mem>>)
    %dma_wait3A_124 = arith.constant 0 : i32
    %dma_wait3A_125 = tpu.memref_slice %arg5[%dma_wait3A_124] : memref<13312xi32, #tpu.memory_space<vmem>> -> memref<512xi32, #tpu.memory_space<vmem>>
    %dma_wait3A_126 = arith.constant 0 : i32
    %dma_wait3A_127 = arith.constant 0 : i32
    %dma_wait3A_128 = tpu.memref_slice %arg3[%dma_wait3A_126, %dma_wait3A_127] : memref<1000000x32xf32, #tpu.memory_space<hbm>> -> memref<1000000x32xf32, #tpu.memory_space<hbm>>
    tpu.wait_indirect_dma semaphore(%arg11 : memref<!tpu.dma_semaphore, #tpu.memory_space<semaphore_mem>>) src(%dma_wait3A_128 : memref<1000000x32xf32, #tpu.memory_space<hbm>>) dst(%arg7 : memref<512x32xf32, #tpu.memory_space<vmem>>)
    %scan3A_129 = arith.constant 0 : i32
    %scan3A_130 = arith.constant 0 : i32
    %scan3A_131 = arith.constant 4 : i32
    %scan3A_132 = arith.addi %scan3A_130, %scan3A_131 : i32
    %scan3A_133 = arith.constant 1 : i32
    scf.for %scan3A_258 = %scan3A_130 to %scan3A_132 step %scan3A_133  : i32 {
      %scan3A_259 = arith.constant 0 : i32
      %scan3A_260 = arith.constant 0 : i32
      %scan3A_261 = arith.constant 128 : i32
      %scan3A_262 = arith.addi %scan3A_260, %scan3A_261 : i32
      %scan3A_263 = arith.constant 1 : i32
      scf.for %scan3A_265 = %scan3A_260 to %scan3A_262 step %scan3A_263  : i32 {
        %mul3A_266 = arith.constant 128 : i32
        %mul3A_267 = arith.muli %scan3A_258, %mul3A_266 : i32
        %add3A_268 = arith.addi %mul3A_267, %scan3A_265 : i32
        %mul3A_269 = arith.constant 1024 : i32
        %mul3A_270 = arith.muli %scan3A_258, %mul3A_269 : i32
        %add3A_271 = arith.constant 0 : i32
        %add3A_272 = arith.addi %add3A_271, %mul3A_270 : i32
        %add3A_273 = arith.addi %add3A_272, %scan3A_265 : i32
        %add3A_274 = vector.broadcast %add3A_273 : i32 to vector<16xi32>
        %add3A_275 = arith.addi %add3A_52, %add3A_274 : vector<16xi32>
        %get3A = arith.index_cast %add3A_268 : i32 to index
        %get3A_276 = arith.constant 0 : index
        %get3A_277 = tpu.vector_load %arg7[%get3A, %get3A_276] {strides = array<i32>} : memref<512x32xf32, #tpu.memory_space<vmem>>, vector<16xf32>,
        tpu.vector_store_idx %arg9[%add3A_275], %get3A_277 : memref<16384xf32, #tpu.memory_space<vmem>>[vector<16xi32>], vector<16xf32>,
        %mul3A_278 = arith.constant 1024 : i32
        %mul3A_279 = arith.muli %scan3A_258, %mul3A_278 : i32
        %add3A_280 = arith.constant 8192 : i32
        %add3A_281 = arith.addi %add3A_280, %mul3A_279 : i32
        %add3A_282 = arith.addi %add3A_281, %scan3A_265 : i32
        %add3A_283 = vector.broadcast %add3A_282 : i32 to vector<16xi32>
        %add3A_284 = arith.addi %add3A_52, %add3A_283 : vector<16xi32>
        %get3A_285 = arith.index_cast %add3A_268 : i32 to index
        %get3A_286 = arith.constant 16 : index
        %get3A_287 = tpu.vector_load %arg7[%get3A_285, %get3A_286] {strides = array<i32>} : memref<512x32xf32, #tpu.memory_space<vmem>>, vector<16xf32>,
        tpu.vector_store_idx %arg9[%add3A_284], %get3A_287 : memref<16384xf32, #tpu.memory_space<vmem>>[vector<16xi32>], vector<16xf32>,
      }
      %scan3A_264 = arith.constant 128 : i32
    }
    %scan3A_134 = arith.constant 4 : i32
    %dma_start3A_135 = arith.constant 1536 : i32
    %dma_start3A_136 = tpu.memref_slice %arg5[%dma_start3A_135] : memref<13312xi32, #tpu.memory_space<vmem>> -> memref<512xi32, #tpu.memory_space<vmem>>
    %dma_start3A_137 = arith.constant 0 : i32
    %dma_start3A_138 = arith.constant 0 : i32
    %dma_start3A_139 = tpu.memref_slice %arg3[%dma_start3A_137, %dma_start3A_138] : memref<1000000x32xf32, #tpu.memory_space<hbm>> -> memref<1000000x32xf32, #tpu.memory_space<hbm>>
    tpu.enqueue_indirect_dma source(%dma_start3A_139 : memref<1000000x32xf32, #tpu.memory_space<hbm>>) target(%arg7 : memref<512x32xf32, #tpu.memory_space<vmem>>) offsets(%dma_start3A_136 : memref<512xi32, #tpu.memory_space<vmem>>) semaphore(%arg11 : memref<!tpu.dma_semaphore, #tpu.memory_space<semaphore_mem>>)
    %mul3A_140 = arith.constant 4 : i32
    %mul3A_141 = arith.muli %add3A, %mul3A_140 : i32
    %add3A_142 = arith.constant 512 : i32
    %add3A_143 = arith.addi %add3A_142, %mul3A_141 : i32
    %mul3A_144 = arith.constant 1024 : i32
    %mul3A_145 = arith.muli %add3A_143, %mul3A_144 : i32
    %dma_start3A_146 = arith.constant 0 : i32
    %dma_start3A_147 = tpu.memref_slice %arg9[%dma_start3A_146] : memref<16384xf32, #tpu.memory_space<vmem>> -> memref<4096xf32, #tpu.memory_space<vmem>>
    %dma_start3A_148 = tpu.memref_slice %arg4[%mul3A_145] : memref<13631488xf32, #tpu.memory_space<hbm>> -> memref<4096xf32, #tpu.memory_space<hbm>>
    %dma_start3A_149 = tpu.memref_slice %arg4[%mul3A_145] : memref<13631488xf32, #tpu.memory_space<hbm>> -> memref<4096xf32, #tpu.memory_space<hbm>>
    %dma_start3A_150 = arith.constant 0 : i32
    %dma_start3A_151 = tpu.memref_slice %arg9[%dma_start3A_150] : memref<16384xf32, #tpu.memory_space<vmem>> -> memref<4096xf32, #tpu.memory_space<vmem>>
    tpu.enqueue_dma source(%dma_start3A_151 : memref<4096xf32, #tpu.memory_space<vmem>>) target(%dma_start3A_149 : memref<4096xf32, #tpu.memory_space<hbm>>) target_semaphore(%arg13 : memref<!tpu.dma_semaphore, #tpu.memory_space<semaphore_mem>>)
    %mul3A_152 = arith.constant 4 : i32
    %mul3A_153 = arith.muli %add3A, %mul3A_152 : i32
    %add3A_154 = arith.constant 640 : i32
    %add3A_155 = arith.addi %add3A_154, %mul3A_153 : i32
    %mul3A_156 = arith.constant 1024 : i32
    %mul3A_157 = arith.muli %add3A_155, %mul3A_156 : i32
    %dma_start3A_158 = arith.constant 4096 : i32
    %dma_start3A_159 = tpu.memref_slice %arg9[%dma_start3A_158] : memref<16384xf32, #tpu.memory_space<vmem>> -> memref<4096xf32, #tpu.memory_space<vmem>>
    %dma_start3A_160 = tpu.memref_slice %arg4[%mul3A_157] : memref<13631488xf32, #tpu.memory_space<hbm>> -> memref<4096xf32, #tpu.memory_space<hbm>>
    %dma_start3A_161 = tpu.memref_slice %arg4[%mul3A_157] : memref<13631488xf32, #tpu.memory_space<hbm>> -> memref<4096xf32, #tpu.memory_space<hbm>>
    %dma_start3A_162 = arith.constant 4096 : i32
    %dma_start3A_163 = tpu.memref_slice %arg9[%dma_start3A_162] : memref<16384xf32, #tpu.memory_space<vmem>> -> memref<4096xf32, #tpu.memory_space<vmem>>
    tpu.enqueue_dma source(%dma_start3A_163 : memref<4096xf32, #tpu.memory_space<vmem>>) target(%dma_start3A_161 : memref<4096xf32, #tpu.memory_space<hbm>>) target_semaphore(%arg13 : memref<!tpu.dma_semaphore, #tpu.memory_space<semaphore_mem>>)
    %mul3A_164 = arith.constant 4 : i32
    %mul3A_165 = arith.muli %add3A, %mul3A_164 : i32
    %add3A_166 = arith.constant 768 : i32
    %add3A_167 = arith.addi %add3A_166, %mul3A_165 : i32
    %mul3A_168 = arith.constant 1024 : i32
    %mul3A_169 = arith.muli %add3A_167, %mul3A_168 : i32
    %dma_start3A_170 = arith.constant 8192 : i32
    %dma_start3A_171 = tpu.memref_slice %arg9[%dma_start3A_170] : memref<16384xf32, #tpu.memory_space<vmem>> -> memref<4096xf32, #tpu.memory_space<vmem>>
    %dma_start3A_172 = tpu.memref_slice %arg4[%mul3A_169] : memref<13631488xf32, #tpu.memory_space<hbm>> -> memref<4096xf32, #tpu.memory_space<hbm>>
    %dma_start3A_173 = tpu.memref_slice %arg4[%mul3A_169] : memref<13631488xf32, #tpu.memory_space<hbm>> -> memref<4096xf32, #tpu.memory_space<hbm>>
    %dma_start3A_174 = arith.constant 8192 : i32
    %dma_start3A_175 = tpu.memref_slice %arg9[%dma_start3A_174] : memref<16384xf32, #tpu.memory_space<vmem>> -> memref<4096xf32, #tpu.memory_space<vmem>>
    tpu.enqueue_dma source(%dma_start3A_175 : memref<4096xf32, #tpu.memory_space<vmem>>) target(%dma_start3A_173 : memref<4096xf32, #tpu.memory_space<hbm>>) target_semaphore(%arg13 : memref<!tpu.dma_semaphore, #tpu.memory_space<semaphore_mem>>)
    %mul3A_176 = arith.constant 4 : i32
    %mul3A_177 = arith.muli %add3A, %mul3A_176 : i32
    %add3A_178 = arith.constant 896 : i32
    %add3A_179 = arith.addi %add3A_178, %mul3A_177 : i32
    %mul3A_180 = arith.constant 1024 : i32
    %mul3A_181 = arith.muli %add3A_179, %mul3A_180 : i32
    %dma_start3A_182 = arith.constant 12288 : i32
    %dma_start3A_183 = tpu.memref_slice %arg9[%dma_start3A_182] : memref<16384xf32, #tpu.memory_space<vmem>> -> memref<4096xf32, #tpu.memory_space<vmem>>
    %dma_start3A_184 = tpu.memref_slice %arg4[%mul3A_181] : memref<13631488xf32, #tpu.memory_space<hbm>> -> memref<4096xf32, #tpu.memory_space<hbm>>
    %dma_start3A_185 = tpu.memref_slice %arg4[%mul3A_181] : memref<13631488xf32, #tpu.memory_space<hbm>> -> memref<4096xf32, #tpu.memory_space<hbm>>
    %dma_start3A_186 = arith.constant 12288 : i32
    %dma_start3A_187 = tpu.memref_slice %arg9[%dma_start3A_186] : memref<16384xf32, #tpu.memory_space<vmem>> -> memref<4096xf32, #tpu.memory_space<vmem>>
    tpu.enqueue_dma source(%dma_start3A_187 : memref<4096xf32, #tpu.memory_space<vmem>>) target(%dma_start3A_185 : memref<4096xf32, #tpu.memory_space<hbm>>) target_semaphore(%arg13 : memref<!tpu.dma_semaphore, #tpu.memory_space<semaphore_mem>>)
    %scan3A_188 = arith.constant 0 : i32
    %scan3A_189 = arith.constant 1 : i32
    %scan3A_190 = arith.constant 12 : i32
    %scan3A_191 = arith.addi %scan3A_189, %scan3A_190 : i32
    %scan3A_192 = arith.constant 1 : i32
    scf.for %scan3A_258 = %scan3A_189 to %scan3A_191 step %scan3A_192  : i32 {
      %mul3A_259 = arith.constant 2 : i32
      %mul3A_260 = arith.muli %mul3A_259, %scan3A_258 : i32
      %add3A_261 = arith.constant 0 : i32
      %add3A_262 = arith.addi %mul3A_260, %add3A_261 : i32
      %dma_wait3A_263 = arith.constant 0 : i32
      %dma_wait3A_264 = tpu.memref_slice %arg5[%dma_wait3A_263] : memref<13312xi32, #tpu.memory_space<vmem>> -> memref<512xi32, #tpu.memory_space<vmem>>
      %dma_wait3A_265 = arith.constant 0 : i32
      %dma_wait3A_266 = arith.constant 0 : i32
      %dma_wait3A_267 = tpu.memref_slice %arg3[%dma_wait3A_265, %dma_wait3A_266] : memref<1000000x32xf32, #tpu.memory_space<hbm>> -> memref<1000000x32xf32, #tpu.memory_space<hbm>>
      tpu.wait_indirect_dma semaphore(%arg10 : memref<!tpu.dma_semaphore, #tpu.memory_space<semaphore_mem>>) src(%dma_wait3A_267 : memref<1000000x32xf32, #tpu.memory_space<hbm>>) dst(%arg6 : memref<512x32xf32, #tpu.memory_space<vmem>>)
      %dma_wait3A_268 = arith.constant 0 : i32
      %dma_wait3A_269 = tpu.memref_slice %arg8[%dma_wait3A_268] : memref<16384xf32, #tpu.memory_space<vmem>> -> memref<4096xf32, #tpu.memory_space<vmem>>
      %dma_wait3A_270 = arith.constant 0 : i32
      %dma_wait3A_271 = tpu.memref_slice %arg4[%dma_wait3A_270] : memref<13631488xf32, #tpu.memory_space<hbm>> -> memref<4096xf32, #tpu.memory_space<hbm>>
      %dma_wait3A_272 = arith.constant 0 : i32
      %dma_wait3A_273 = tpu.memref_slice %arg4[%dma_wait3A_272] : memref<13631488xf32, #tpu.memory_space<hbm>> -> memref<4096xf32, #tpu.memory_space<hbm>>
      %dma_wait3A_274 = arith.constant 0 : i32
      %dma_wait3A_275 = tpu.memref_slice %arg8[%dma_wait3A_274] : memref<16384xf32, #tpu.memory_space<vmem>> -> memref<4096xf32, #tpu.memory_space<vmem>>
      tpu.wait_dma2 semaphore(%arg12 : memref<!tpu.dma_semaphore, #tpu.memory_space<semaphore_mem>>) src(%dma_wait3A_275 : memref<4096xf32, #tpu.memory_space<vmem>>) dst(%dma_wait3A_273 : memref<4096xf32, #tpu.memory_space<hbm>>)
      %dma_wait3A_276 = arith.constant 0 : i32
      %dma_wait3A_277 = tpu.memref_slice %arg8[%dma_wait3A_276] : memref<16384xf32, #tpu.memory_space<vmem>> -> memref<4096xf32, #tpu.memory_space<vmem>>
      %dma_wait3A_278 = arith.constant 0 : i32
      %dma_wait3A_279 = tpu.memref_slice %arg4[%dma_wait3A_278] : memref<13631488xf32, #tpu.memory_space<hbm>> -> memref<4096xf32, #tpu.memory_space<hbm>>
      %dma_wait3A_280 = arith.constant 0 : i32
      %dma_wait3A_281 = tpu.memref_slice %arg4[%dma_wait3A_280] : memref<13631488xf32, #tpu.memory_space<hbm>> -> memref<4096xf32, #tpu.memory_space<hbm>>
      %dma_wait3A_282 = arith.constant 0 : i32
      %dma_wait3A_283 = tpu.memref_slice %arg8[%dma_wait3A_282] : memref<16384xf32, #tpu.memory_space<vmem>> -> memref<4096xf32, #tpu.memory_space<vmem>>
      tpu.wait_dma2 semaphore(%arg12 : memref<!tpu.dma_semaphore, #tpu.memory_space<semaphore_mem>>) src(%dma_wait3A_283 : memref<4096xf32, #tpu.memory_space<vmem>>) dst(%dma_wait3A_281 : memref<4096xf32, #tpu.memory_space<hbm>>)
      %dma_wait3A_284 = arith.constant 0 : i32
      %dma_wait3A_285 = tpu.memref_slice %arg8[%dma_wait3A_284] : memref<16384xf32, #tpu.memory_space<vmem>> -> memref<4096xf32, #tpu.memory_space<vmem>>
      %dma_wait3A_286 = arith.constant 0 : i32
      %dma_wait3A_287 = tpu.memref_slice %arg4[%dma_wait3A_286] : memref<13631488xf32, #tpu.memory_space<hbm>> -> memref<4096xf32, #tpu.memory_space<hbm>>
      %dma_wait3A_288 = arith.constant 0 : i32
      %dma_wait3A_289 = tpu.memref_slice %arg4[%dma_wait3A_288] : memref<13631488xf32, #tpu.memory_space<hbm>> -> memref<4096xf32, #tpu.memory_space<hbm>>
      %dma_wait3A_290 = arith.constant 0 : i32
      %dma_wait3A_291 = tpu.memref_slice %arg8[%dma_wait3A_290] : memref<16384xf32, #tpu.memory_space<vmem>> -> memref<4096xf32, #tpu.memory_space<vmem>>
      tpu.wait_dma2 semaphore(%arg12 : memref<!tpu.dma_semaphore, #tpu.memory_space<semaphore_mem>>) src(%dma_wait3A_291 : memref<4096xf32, #tpu.memory_space<vmem>>) dst(%dma_wait3A_289 : memref<4096xf32, #tpu.memory_space<hbm>>)
      %dma_wait3A_292 = arith.constant 0 : i32
      %dma_wait3A_293 = tpu.memref_slice %arg8[%dma_wait3A_292] : memref<16384xf32, #tpu.memory_space<vmem>> -> memref<4096xf32, #tpu.memory_space<vmem>>
      %dma_wait3A_294 = arith.constant 0 : i32
      %dma_wait3A_295 = tpu.memref_slice %arg4[%dma_wait3A_294] : memref<13631488xf32, #tpu.memory_space<hbm>> -> memref<4096xf32, #tpu.memory_space<hbm>>
      %dma_wait3A_296 = arith.constant 0 : i32
      %dma_wait3A_297 = tpu.memref_slice %arg4[%dma_wait3A_296] : memref<13631488xf32, #tpu.memory_space<hbm>> -> memref<4096xf32, #tpu.memory_space<hbm>>
      %dma_wait3A_298 = arith.constant 0 : i32
      %dma_wait3A_299 = tpu.memref_slice %arg8[%dma_wait3A_298] : memref<16384xf32, #tpu.memory_space<vmem>> -> memref<4096xf32, #tpu.memory_space<vmem>>
      tpu.wait_dma2 semaphore(%arg12 : memref<!tpu.dma_semaphore, #tpu.memory_space<semaphore_mem>>) src(%dma_wait3A_299 : memref<4096xf32, #tpu.memory_space<vmem>>) dst(%dma_wait3A_297 : memref<4096xf32, #tpu.memory_space<hbm>>)
      %scan3A_300 = arith.constant 0 : i32
      %scan3A_301 = arith.constant 0 : i32
      %scan3A_302 = arith.constant 4 : i32
      %scan3A_303 = arith.addi %scan3A_301, %scan3A_302 : i32
      %scan3A_304 = arith.constant 1 : i32
      scf.for %scan3A_501 = %scan3A_301 to %scan3A_303 step %scan3A_304  : i32 {
        %scan3A_502 = arith.constant 0 : i32
        %scan3A_503 = arith.constant 0 : i32
        %scan3A_504 = arith.constant 128 : i32
        %scan3A_505 = arith.addi %scan3A_503, %scan3A_504 : i32
        %scan3A_506 = arith.constant 1 : i32
        scf.for %scan3A_508 = %scan3A_503 to %scan3A_505 step %scan3A_506  : i32 {
          %mul3A_509 = arith.constant 128 : i32
          %mul3A_510 = arith.muli %scan3A_501, %mul3A_509 : i32
          %add3A_511 = arith.addi %mul3A_510, %scan3A_508 : i32
          %mul3A_512 = arith.constant 1024 : i32
          %mul3A_513 = arith.muli %scan3A_501, %mul3A_512 : i32
          %add3A_514 = arith.constant 0 : i32
          %add3A_515 = arith.addi %add3A_514, %mul3A_513 : i32
          %add3A_516 = arith.addi %add3A_515, %scan3A_508 : i32
          %add3A_517 = vector.broadcast %add3A_516 : i32 to vector<16xi32>
          %add3A_518 = arith.addi %add3A_52, %add3A_517 : vector<16xi32>
          %get3A = arith.index_cast %add3A_511 : i32 to index
          %get3A_519 = arith.constant 0 : index
          %get3A_520 = tpu.vector_load %arg6[%get3A, %get3A_519] {strides = array<i32>} : memref<512x32xf32, #tpu.memory_space<vmem>>, vector<16xf32>,
          tpu.vector_store_idx %arg8[%add3A_518], %get3A_520 : memref<16384xf32, #tpu.memory_space<vmem>>[vector<16xi32>], vector<16xf32>,
          %mul3A_521 = arith.constant 1024 : i32
          %mul3A_522 = arith.muli %scan3A_501, %mul3A_521 : i32
          %add3A_523 = arith.constant 8192 : i32
          %add3A_524 = arith.addi %add3A_523, %mul3A_522 : i32
          %add3A_525 = arith.addi %add3A_524, %scan3A_508 : i32
          %add3A_526 = vector.broadcast %add3A_525 : i32 to vector<16xi32>
          %add3A_527 = arith.addi %add3A_52, %add3A_526 : vector<16xi32>
          %get3A_528 = arith.index_cast %add3A_511 : i32 to index
          %get3A_529 = arith.constant 16 : index
          %get3A_530 = tpu.vector_load %arg6[%get3A_528, %get3A_529] {strides = array<i32>} : memref<512x32xf32, #tpu.memory_space<vmem>>, vector<16xf32>,
          tpu.vector_store_idx %arg8[%add3A_527], %get3A_530 : memref<16384xf32, #tpu.memory_space<vmem>>[vector<16xi32>], vector<16xf32>,
        }
        %scan3A_507 = arith.constant 128 : i32
      }
      %scan3A_305 = arith.constant 4 : i32
      %add3A_306 = arith.constant 2 : i32
      %add3A_307 = arith.addi %add3A_262, %add3A_306 : i32
      %lt3A_308 = arith.constant 26 : i32
      %lt3A_309 = arith.cmpi slt, %add3A_307, %lt3A_308 : i32
      %convert_element_type3A = arith.extui %lt3A_309 : i1 to i32
      %cond3A = arith.constant 0 : i32
      %cond3A_310 = arith.cmpi ne, %convert_element_type3A, %cond3A : i32
      scf.if %cond3A_310 {
        %add3A_501 = arith.constant 2 : i32
        %add3A_502 = arith.addi %add3A_262, %add3A_501 : i32
        %mul3A_503 = arith.constant 512 : i32
        %mul3A_504 = arith.muli %add3A_502, %mul3A_503 : i32
        %dma_start3A_505 = tpu.memref_slice %arg5[%mul3A_504] : memref<13312xi32, #tpu.memory_space<vmem>> -> memref<512xi32, #tpu.memory_space<vmem>>
        %dma_start3A_506 = arith.constant 0 : i32
        %dma_start3A_507 = arith.constant 0 : i32
        %dma_start3A_508 = tpu.memref_slice %arg3[%dma_start3A_506, %dma_start3A_507] : memref<1000000x32xf32, #tpu.memory_space<hbm>> -> memref<1000000x32xf32, #tpu.memory_space<hbm>>
        tpu.enqueue_indirect_dma source(%dma_start3A_508 : memref<1000000x32xf32, #tpu.memory_space<hbm>>) target(%arg6 : memref<512x32xf32, #tpu.memory_space<vmem>>) offsets(%dma_start3A_505 : memref<512xi32, #tpu.memory_space<vmem>>) semaphore(%arg10 : memref<!tpu.dma_semaphore, #tpu.memory_space<semaphore_mem>>)
      } else {
      }
      %mul3A_311 = arith.constant 4 : i32
      %mul3A_312 = arith.muli %add3A_262, %mul3A_311 : i32
      %add3A_313 = arith.constant 0 : i32
      %add3A_314 = arith.addi %mul3A_312, %add3A_313 : i32
      %mul3A_315 = arith.constant 128 : i32
      %mul3A_316 = arith.muli %add3A_314, %mul3A_315 : i32
      %mul3A_317 = arith.constant 4 : i32
      %mul3A_318 = arith.muli %add3A, %mul3A_317 : i32
      %add3A_319 = arith.addi %mul3A_316, %mul3A_318 : i32
      %mul3A_320 = arith.constant 1024 : i32
      %mul3A_321 = arith.muli %add3A_319, %mul3A_320 : i32
      %dma_start3A_322 = arith.constant 0 : i32
      %dma_start3A_323 = tpu.memref_slice %arg8[%dma_start3A_322] : memref<16384xf32, #tpu.memory_space<vmem>> -> memref<4096xf32, #tpu.memory_space<vmem>>
      %dma_start3A_324 = tpu.memref_slice %arg4[%mul3A_321] : memref<13631488xf32, #tpu.memory_space<hbm>> -> memref<4096xf32, #tpu.memory_space<hbm>>
      %dma_start3A_325 = tpu.memref_slice %arg4[%mul3A_321] : memref<13631488xf32, #tpu.memory_space<hbm>> -> memref<4096xf32, #tpu.memory_space<hbm>>
      %dma_start3A_326 = arith.constant 0 : i32
      %dma_start3A_327 = tpu.memref_slice %arg8[%dma_start3A_326] : memref<16384xf32, #tpu.memory_space<vmem>> -> memref<4096xf32, #tpu.memory_space<vmem>>
      tpu.enqueue_dma source(%dma_start3A_327 : memref<4096xf32, #tpu.memory_space<vmem>>) target(%dma_start3A_325 : memref<4096xf32, #tpu.memory_space<hbm>>) target_semaphore(%arg12 : memref<!tpu.dma_semaphore, #tpu.memory_space<semaphore_mem>>)
      %mul3A_328 = arith.constant 4 : i32
      %mul3A_329 = arith.muli %add3A_262, %mul3A_328 : i32
      %add3A_330 = arith.constant 1 : i32
      %add3A_331 = arith.addi %mul3A_329, %add3A_330 : i32
      %mul3A_332 = arith.constant 128 : i32
      %mul3A_333 = arith.muli %add3A_331, %mul3A_332 : i32
      %mul3A_334 = arith.constant 4 : i32
      %mul3A_335 = arith.muli %add3A, %mul3A_334 : i32
      %add3A_336 = arith.addi %mul3A_333, %mul3A_335 : i32
      %mul3A_337 = arith.constant 1024 : i32
      %mul3A_338 = arith.muli %add3A_336, %mul3A_337 : i32
      %dma_start3A_339 = arith.constant 4096 : i32
      %dma_start3A_340 = tpu.memref_slice %arg8[%dma_start3A_339] : memref<16384xf32, #tpu.memory_space<vmem>> -> memref<4096xf32, #tpu.memory_space<vmem>>
      %dma_start3A_341 = tpu.memref_slice %arg4[%mul3A_338] : memref<13631488xf32, #tpu.memory_space<hbm>> -> memref<4096xf32, #tpu.memory_space<hbm>>
      %dma_start3A_342 = tpu.memref_slice %arg4[%mul3A_338] : memref<13631488xf32, #tpu.memory_space<hbm>> -> memref<4096xf32, #tpu.memory_space<hbm>>
      %dma_start3A_343 = arith.constant 4096 : i32
      %dma_start3A_344 = tpu.memref_slice %arg8[%dma_start3A_343] : memref<16384xf32, #tpu.memory_space<vmem>> -> memref<4096xf32, #tpu.memory_space<vmem>>
      tpu.enqueue_dma source(%dma_start3A_344 : memref<4096xf32, #tpu.memory_space<vmem>>) target(%dma_start3A_342 : memref<4096xf32, #tpu.memory_space<hbm>>) target_semaphore(%arg12 : memref<!tpu.dma_semaphore, #tpu.memory_space<semaphore_mem>>)
      %mul3A_345 = arith.constant 4 : i32
      %mul3A_346 = arith.muli %add3A_262, %mul3A_345 : i32
      %add3A_347 = arith.constant 2 : i32
      %add3A_348 = arith.addi %mul3A_346, %add3A_347 : i32
      %mul3A_349 = arith.constant 128 : i32
      %mul3A_350 = arith.muli %add3A_348, %mul3A_349 : i32
      %mul3A_351 = arith.constant 4 : i32
      %mul3A_352 = arith.muli %add3A, %mul3A_351 : i32
      %add3A_353 = arith.addi %mul3A_350, %mul3A_352 : i32
      %mul3A_354 = arith.constant 1024 : i32
      %mul3A_355 = arith.muli %add3A_353, %mul3A_354 : i32
      %dma_start3A_356 = arith.constant 8192 : i32
      %dma_start3A_357 = tpu.memref_slice %arg8[%dma_start3A_356] : memref<16384xf32, #tpu.memory_space<vmem>> -> memref<4096xf32, #tpu.memory_space<vmem>>
      %dma_start3A_358 = tpu.memref_slice %arg4[%mul3A_355] : memref<13631488xf32, #tpu.memory_space<hbm>> -> memref<4096xf32, #tpu.memory_space<hbm>>
      %dma_start3A_359 = tpu.memref_slice %arg4[%mul3A_355] : memref<13631488xf32, #tpu.memory_space<hbm>> -> memref<4096xf32, #tpu.memory_space<hbm>>
      %dma_start3A_360 = arith.constant 8192 : i32
      %dma_start3A_361 = tpu.memref_slice %arg8[%dma_start3A_360] : memref<16384xf32, #tpu.memory_space<vmem>> -> memref<4096xf32, #tpu.memory_space<vmem>>
      tpu.enqueue_dma source(%dma_start3A_361 : memref<4096xf32, #tpu.memory_space<vmem>>) target(%dma_start3A_359 : memref<4096xf32, #tpu.memory_space<hbm>>) target_semaphore(%arg12 : memref<!tpu.dma_semaphore, #tpu.memory_space<semaphore_mem>>)
      %mul3A_362 = arith.constant 4 : i32
      %mul3A_363 = arith.muli %add3A_262, %mul3A_362 : i32
      %add3A_364 = arith.constant 3 : i32
      %add3A_365 = arith.addi %mul3A_363, %add3A_364 : i32
      %mul3A_366 = arith.constant 128 : i32
      %mul3A_367 = arith.muli %add3A_365, %mul3A_366 : i32
      %mul3A_368 = arith.constant 4 : i32
      %mul3A_369 = arith.muli %add3A, %mul3A_368 : i32
      %add3A_370 = arith.addi %mul3A_367, %mul3A_369 : i32
      %mul3A_371 = arith.constant 1024 : i32
      %mul3A_372 = arith.muli %add3A_370, %mul3A_371 : i32
      %dma_start3A_373 = arith.constant 12288 : i32
      %dma_start3A_374 = tpu.memref_slice %arg8[%dma_start3A_373] : memref<16384xf32, #tpu.memory_space<vmem>> -> memref<4096xf32, #tpu.memory_space<vmem>>
      %dma_start3A_375 = tpu.memref_slice %arg4[%mul3A_372] : memref<13631488xf32, #tpu.memory_space<hbm>> -> memref<4096xf32, #tpu.memory_space<hbm>>
      %dma_start3A_376 = tpu.memref_slice %arg4[%mul3A_372] : memref<13631488xf32, #tpu.memory_space<hbm>> -> memref<4096xf32, #tpu.memory_space<hbm>>
      %dma_start3A_377 = arith.constant 12288 : i32
      %dma_start3A_378 = tpu.memref_slice %arg8[%dma_start3A_377] : memref<16384xf32, #tpu.memory_space<vmem>> -> memref<4096xf32, #tpu.memory_space<vmem>>
      tpu.enqueue_dma source(%dma_start3A_378 : memref<4096xf32, #tpu.memory_space<vmem>>) target(%dma_start3A_376 : memref<4096xf32, #tpu.memory_space<hbm>>) target_semaphore(%arg12 : memref<!tpu.dma_semaphore, #tpu.memory_space<semaphore_mem>>)
      %mul3A_379 = arith.constant 2 : i32
      %mul3A_380 = arith.muli %mul3A_379, %scan3A_258 : i32
      %add3A_381 = arith.constant 1 : i32
      %add3A_382 = arith.addi %mul3A_380, %add3A_381 : i32
      %dma_wait3A_383 = arith.constant 0 : i32
      %dma_wait3A_384 = tpu.memref_slice %arg5[%dma_wait3A_383] : memref<13312xi32, #tpu.memory_space<vmem>> -> memref<512xi32, #tpu.memory_space<vmem>>
      %dma_wait3A_385 = arith.constant 0 : i32
      %dma_wait3A_386 = arith.constant 0 : i32
      %dma_wait3A_387 = tpu.memref_slice %arg3[%dma_wait3A_385, %dma_wait3A_386] : memref<1000000x32xf32, #tpu.memory_space<hbm>> -> memref<1000000x32xf32, #tpu.memory_space<hbm>>
      tpu.wait_indirect_dma semaphore(%arg11 : memref<!tpu.dma_semaphore, #tpu.memory_space<semaphore_mem>>) src(%dma_wait3A_387 : memref<1000000x32xf32, #tpu.memory_space<hbm>>) dst(%arg7 : memref<512x32xf32, #tpu.memory_space<vmem>>)
      %dma_wait3A_388 = arith.constant 0 : i32
      %dma_wait3A_389 = tpu.memref_slice %arg9[%dma_wait3A_388] : memref<16384xf32, #tpu.memory_space<vmem>> -> memref<4096xf32, #tpu.memory_space<vmem>>
      %dma_wait3A_390 = arith.constant 0 : i32
      %dma_wait3A_391 = tpu.memref_slice %arg4[%dma_wait3A_390] : memref<13631488xf32, #tpu.memory_space<hbm>> -> memref<4096xf32, #tpu.memory_space<hbm>>
      %dma_wait3A_392 = arith.constant 0 : i32
      %dma_wait3A_393 = tpu.memref_slice %arg4[%dma_wait3A_392] : memref<13631488xf32, #tpu.memory_space<hbm>> -> memref<4096xf32, #tpu.memory_space<hbm>>
      %dma_wait3A_394 = arith.constant 0 : i32
      %dma_wait3A_395 = tpu.memref_slice %arg9[%dma_wait3A_394] : memref<16384xf32, #tpu.memory_space<vmem>> -> memref<4096xf32, #tpu.memory_space<vmem>>
      tpu.wait_dma2 semaphore(%arg13 : memref<!tpu.dma_semaphore, #tpu.memory_space<semaphore_mem>>) src(%dma_wait3A_395 : memref<4096xf32, #tpu.memory_space<vmem>>) dst(%dma_wait3A_393 : memref<4096xf32, #tpu.memory_space<hbm>>)
      %dma_wait3A_396 = arith.constant 0 : i32
      %dma_wait3A_397 = tpu.memref_slice %arg9[%dma_wait3A_396] : memref<16384xf32, #tpu.memory_space<vmem>> -> memref<4096xf32, #tpu.memory_space<vmem>>
      %dma_wait3A_398 = arith.constant 0 : i32
      %dma_wait3A_399 = tpu.memref_slice %arg4[%dma_wait3A_398] : memref<13631488xf32, #tpu.memory_space<hbm>> -> memref<4096xf32, #tpu.memory_space<hbm>>
      %dma_wait3A_400 = arith.constant 0 : i32
      %dma_wait3A_401 = tpu.memref_slice %arg4[%dma_wait3A_400] : memref<13631488xf32, #tpu.memory_space<hbm>> -> memref<4096xf32, #tpu.memory_space<hbm>>
      %dma_wait3A_402 = arith.constant 0 : i32
      %dma_wait3A_403 = tpu.memref_slice %arg9[%dma_wait3A_402] : memref<16384xf32, #tpu.memory_space<vmem>> -> memref<4096xf32, #tpu.memory_space<vmem>>
      tpu.wait_dma2 semaphore(%arg13 : memref<!tpu.dma_semaphore, #tpu.memory_space<semaphore_mem>>) src(%dma_wait3A_403 : memref<4096xf32, #tpu.memory_space<vmem>>) dst(%dma_wait3A_401 : memref<4096xf32, #tpu.memory_space<hbm>>)
      %dma_wait3A_404 = arith.constant 0 : i32
      %dma_wait3A_405 = tpu.memref_slice %arg9[%dma_wait3A_404] : memref<16384xf32, #tpu.memory_space<vmem>> -> memref<4096xf32, #tpu.memory_space<vmem>>
      %dma_wait3A_406 = arith.constant 0 : i32
      %dma_wait3A_407 = tpu.memref_slice %arg4[%dma_wait3A_406] : memref<13631488xf32, #tpu.memory_space<hbm>> -> memref<4096xf32, #tpu.memory_space<hbm>>
      %dma_wait3A_408 = arith.constant 0 : i32
      %dma_wait3A_409 = tpu.memref_slice %arg4[%dma_wait3A_408] : memref<13631488xf32, #tpu.memory_space<hbm>> -> memref<4096xf32, #tpu.memory_space<hbm>>
      %dma_wait3A_410 = arith.constant 0 : i32
      %dma_wait3A_411 = tpu.memref_slice %arg9[%dma_wait3A_410] : memref<16384xf32, #tpu.memory_space<vmem>> -> memref<4096xf32, #tpu.memory_space<vmem>>
      tpu.wait_dma2 semaphore(%arg13 : memref<!tpu.dma_semaphore, #tpu.memory_space<semaphore_mem>>) src(%dma_wait3A_411 : memref<4096xf32, #tpu.memory_space<vmem>>) dst(%dma_wait3A_409 : memref<4096xf32, #tpu.memory_space<hbm>>)
      %dma_wait3A_412 = arith.constant 0 : i32
      %dma_wait3A_413 = tpu.memref_slice %arg9[%dma_wait3A_412] : memref<16384xf32, #tpu.memory_space<vmem>> -> memref<4096xf32, #tpu.memory_space<vmem>>
      %dma_wait3A_414 = arith.constant 0 : i32
      %dma_wait3A_415 = tpu.memref_slice %arg4[%dma_wait3A_414] : memref<13631488xf32, #tpu.memory_space<hbm>> -> memref<4096xf32, #tpu.memory_space<hbm>>
      %dma_wait3A_416 = arith.constant 0 : i32
      %dma_wait3A_417 = tpu.memref_slice %arg4[%dma_wait3A_416] : memref<13631488xf32, #tpu.memory_space<hbm>> -> memref<4096xf32, #tpu.memory_space<hbm>>
      %dma_wait3A_418 = arith.constant 0 : i32
      %dma_wait3A_419 = tpu.memref_slice %arg9[%dma_wait3A_418] : memref<16384xf32, #tpu.memory_space<vmem>> -> memref<4096xf32, #tpu.memory_space<vmem>>
      tpu.wait_dma2 semaphore(%arg13 : memref<!tpu.dma_semaphore, #tpu.memory_space<semaphore_mem>>) src(%dma_wait3A_419 : memref<4096xf32, #tpu.memory_space<vmem>>) dst(%dma_wait3A_417 : memref<4096xf32, #tpu.memory_space<hbm>>)
      %scan3A_420 = arith.constant 0 : i32
      %scan3A_421 = arith.constant 0 : i32
      %scan3A_422 = arith.constant 4 : i32
      %scan3A_423 = arith.addi %scan3A_421, %scan3A_422 : i32
      %scan3A_424 = arith.constant 1 : i32
      scf.for %scan3A_501 = %scan3A_421 to %scan3A_423 step %scan3A_424  : i32 {
        %scan3A_502 = arith.constant 0 : i32
        %scan3A_503 = arith.constant 0 : i32
        %scan3A_504 = arith.constant 128 : i32
        %scan3A_505 = arith.addi %scan3A_503, %scan3A_504 : i32
        %scan3A_506 = arith.constant 1 : i32
        scf.for %scan3A_508 = %scan3A_503 to %scan3A_505 step %scan3A_506  : i32 {
          %mul3A_509 = arith.constant 128 : i32
          %mul3A_510 = arith.muli %scan3A_501, %mul3A_509 : i32
          %add3A_511 = arith.addi %mul3A_510, %scan3A_508 : i32
          %mul3A_512 = arith.constant 1024 : i32
          %mul3A_513 = arith.muli %scan3A_501, %mul3A_512 : i32
          %add3A_514 = arith.constant 0 : i32
          %add3A_515 = arith.addi %add3A_514, %mul3A_513 : i32
          %add3A_516 = arith.addi %add3A_515, %scan3A_508 : i32
          %add3A_517 = vector.broadcast %add3A_516 : i32 to vector<16xi32>
          %add3A_518 = arith.addi %add3A_52, %add3A_517 : vector<16xi32>
          %get3A = arith.index_cast %add3A_511 : i32 to index
          %get3A_519 = arith.constant 0 : index
          %get3A_520 = tpu.vector_load %arg7[%get3A, %get3A_519] {strides = array<i32>} : memref<512x32xf32, #tpu.memory_space<vmem>>, vector<16xf32>,
          tpu.vector_store_idx %arg9[%add3A_518], %get3A_520 : memref<16384xf32, #tpu.memory_space<vmem>>[vector<16xi32>], vector<16xf32>,
          %mul3A_521 = arith.constant 1024 : i32
          %mul3A_522 = arith.muli %scan3A_501, %mul3A_521 : i32
          %add3A_523 = arith.constant 8192 : i32
          %add3A_524 = arith.addi %add3A_523, %mul3A_522 : i32
          %add3A_525 = arith.addi %add3A_524, %scan3A_508 : i32
          %add3A_526 = vector.broadcast %add3A_525 : i32 to vector<16xi32>
          %add3A_527 = arith.addi %add3A_52, %add3A_526 : vector<16xi32>
          %get3A_528 = arith.index_cast %add3A_511 : i32 to index
          %get3A_529 = arith.constant 16 : index
          %get3A_530 = tpu.vector_load %arg7[%get3A_528, %get3A_529] {strides = array<i32>} : memref<512x32xf32, #tpu.memory_space<vmem>>, vector<16xf32>,
          tpu.vector_store_idx %arg9[%add3A_527], %get3A_530 : memref<16384xf32, #tpu.memory_space<vmem>>[vector<16xi32>], vector<16xf32>,
        }
        %scan3A_507 = arith.constant 128 : i32
      }
      %scan3A_425 = arith.constant 4 : i32
      %add3A_426 = arith.constant 2 : i32
      %add3A_427 = arith.addi %add3A_382, %add3A_426 : i32
      %lt3A_428 = arith.constant 26 : i32
      %lt3A_429 = arith.cmpi slt, %add3A_427, %lt3A_428 : i32
      %convert_element_type3A_430 = arith.extui %lt3A_429 : i1 to i32
      %cond3A_431 = arith.constant 0 : i32
      %cond3A_432 = arith.cmpi ne, %convert_element_type3A_430, %cond3A_431 : i32
      scf.if %cond3A_432 {
        %add3A_501 = arith.constant 2 : i32
        %add3A_502 = arith.addi %add3A_382, %add3A_501 : i32
        %mul3A_503 = arith.constant 512 : i32
        %mul3A_504 = arith.muli %add3A_502, %mul3A_503 : i32
        %dma_start3A_505 = tpu.memref_slice %arg5[%mul3A_504] : memref<13312xi32, #tpu.memory_space<vmem>> -> memref<512xi32, #tpu.memory_space<vmem>>
        %dma_start3A_506 = arith.constant 0 : i32
        %dma_start3A_507 = arith.constant 0 : i32
        %dma_start3A_508 = tpu.memref_slice %arg3[%dma_start3A_506, %dma_start3A_507] : memref<1000000x32xf32, #tpu.memory_space<hbm>> -> memref<1000000x32xf32, #tpu.memory_space<hbm>>
        tpu.enqueue_indirect_dma source(%dma_start3A_508 : memref<1000000x32xf32, #tpu.memory_space<hbm>>) target(%arg7 : memref<512x32xf32, #tpu.memory_space<vmem>>) offsets(%dma_start3A_505 : memref<512xi32, #tpu.memory_space<vmem>>) semaphore(%arg11 : memref<!tpu.dma_semaphore, #tpu.memory_space<semaphore_mem>>)
      } else {
      }
      %mul3A_433 = arith.constant 4 : i32
      %mul3A_434 = arith.muli %add3A_382, %mul3A_433 : i32
      %add3A_435 = arith.constant 0 : i32
      %add3A_436 = arith.addi %mul3A_434, %add3A_435 : i32
      %mul3A_437 = arith.constant 128 : i32
      %mul3A_438 = arith.muli %add3A_436, %mul3A_437 : i32
      %mul3A_439 = arith.constant 4 : i32
      %mul3A_440 = arith.muli %add3A, %mul3A_439 : i32
      %add3A_441 = arith.addi %mul3A_438, %mul3A_440 : i32
      %mul3A_442 = arith.constant 1024 : i32
      %mul3A_443 = arith.muli %add3A_441, %mul3A_442 : i32
      %dma_start3A_444 = arith.constant 0 : i32
      %dma_start3A_445 = tpu.memref_slice %arg9[%dma_start3A_444] : memref<16384xf32, #tpu.memory_space<vmem>> -> memref<4096xf32, #tpu.memory_space<vmem>>
      %dma_start3A_446 = tpu.memref_slice %arg4[%mul3A_443] : memref<13631488xf32, #tpu.memory_space<hbm>> -> memref<4096xf32, #tpu.memory_space<hbm>>
      %dma_start3A_447 = tpu.memref_slice %arg4[%mul3A_443] : memref<13631488xf32, #tpu.memory_space<hbm>> -> memref<4096xf32, #tpu.memory_space<hbm>>
      %dma_start3A_448 = arith.constant 0 : i32
      %dma_start3A_449 = tpu.memref_slice %arg9[%dma_start3A_448] : memref<16384xf32, #tpu.memory_space<vmem>> -> memref<4096xf32, #tpu.memory_space<vmem>>
      tpu.enqueue_dma source(%dma_start3A_449 : memref<4096xf32, #tpu.memory_space<vmem>>) target(%dma_start3A_447 : memref<4096xf32, #tpu.memory_space<hbm>>) target_semaphore(%arg13 : memref<!tpu.dma_semaphore, #tpu.memory_space<semaphore_mem>>)
      %mul3A_450 = arith.constant 4 : i32
      %mul3A_451 = arith.muli %add3A_382, %mul3A_450 : i32
      %add3A_452 = arith.constant 1 : i32
      %add3A_453 = arith.addi %mul3A_451, %add3A_452 : i32
      %mul3A_454 = arith.constant 128 : i32
      %mul3A_455 = arith.muli %add3A_453, %mul3A_454 : i32
      %mul3A_456 = arith.constant 4 : i32
      %mul3A_457 = arith.muli %add3A, %mul3A_456 : i32
      %add3A_458 = arith.addi %mul3A_455, %mul3A_457 : i32
      %mul3A_459 = arith.constant 1024 : i32
      %mul3A_460 = arith.muli %add3A_458, %mul3A_459 : i32
      %dma_start3A_461 = arith.constant 4096 : i32
      %dma_start3A_462 = tpu.memref_slice %arg9[%dma_start3A_461] : memref<16384xf32, #tpu.memory_space<vmem>> -> memref<4096xf32, #tpu.memory_space<vmem>>
      %dma_start3A_463 = tpu.memref_slice %arg4[%mul3A_460] : memref<13631488xf32, #tpu.memory_space<hbm>> -> memref<4096xf32, #tpu.memory_space<hbm>>
      %dma_start3A_464 = tpu.memref_slice %arg4[%mul3A_460] : memref<13631488xf32, #tpu.memory_space<hbm>> -> memref<4096xf32, #tpu.memory_space<hbm>>
      %dma_start3A_465 = arith.constant 4096 : i32
      %dma_start3A_466 = tpu.memref_slice %arg9[%dma_start3A_465] : memref<16384xf32, #tpu.memory_space<vmem>> -> memref<4096xf32, #tpu.memory_space<vmem>>
      tpu.enqueue_dma source(%dma_start3A_466 : memref<4096xf32, #tpu.memory_space<vmem>>) target(%dma_start3A_464 : memref<4096xf32, #tpu.memory_space<hbm>>) target_semaphore(%arg13 : memref<!tpu.dma_semaphore, #tpu.memory_space<semaphore_mem>>)
      %mul3A_467 = arith.constant 4 : i32
      %mul3A_468 = arith.muli %add3A_382, %mul3A_467 : i32
      %add3A_469 = arith.constant 2 : i32
      %add3A_470 = arith.addi %mul3A_468, %add3A_469 : i32
      %mul3A_471 = arith.constant 128 : i32
      %mul3A_472 = arith.muli %add3A_470, %mul3A_471 : i32
      %mul3A_473 = arith.constant 4 : i32
      %mul3A_474 = arith.muli %add3A, %mul3A_473 : i32
      %add3A_475 = arith.addi %mul3A_472, %mul3A_474 : i32
      %mul3A_476 = arith.constant 1024 : i32
      %mul3A_477 = arith.muli %add3A_475, %mul3A_476 : i32
      %dma_start3A_478 = arith.constant 8192 : i32
      %dma_start3A_479 = tpu.memref_slice %arg9[%dma_start3A_478] : memref<16384xf32, #tpu.memory_space<vmem>> -> memref<4096xf32, #tpu.memory_space<vmem>>
      %dma_start3A_480 = tpu.memref_slice %arg4[%mul3A_477] : memref<13631488xf32, #tpu.memory_space<hbm>> -> memref<4096xf32, #tpu.memory_space<hbm>>
      %dma_start3A_481 = tpu.memref_slice %arg4[%mul3A_477] : memref<13631488xf32, #tpu.memory_space<hbm>> -> memref<4096xf32, #tpu.memory_space<hbm>>
      %dma_start3A_482 = arith.constant 8192 : i32
      %dma_start3A_483 = tpu.memref_slice %arg9[%dma_start3A_482] : memref<16384xf32, #tpu.memory_space<vmem>> -> memref<4096xf32, #tpu.memory_space<vmem>>
      tpu.enqueue_dma source(%dma_start3A_483 : memref<4096xf32, #tpu.memory_space<vmem>>) target(%dma_start3A_481 : memref<4096xf32, #tpu.memory_space<hbm>>) target_semaphore(%arg13 : memref<!tpu.dma_semaphore, #tpu.memory_space<semaphore_mem>>)
      %mul3A_484 = arith.constant 4 : i32
      %mul3A_485 = arith.muli %add3A_382, %mul3A_484 : i32
      %add3A_486 = arith.constant 3 : i32
      %add3A_487 = arith.addi %mul3A_485, %add3A_486 : i32
      %mul3A_488 = arith.constant 128 : i32
      %mul3A_489 = arith.muli %add3A_487, %mul3A_488 : i32
      %mul3A_490 = arith.constant 4 : i32
      %mul3A_491 = arith.muli %add3A, %mul3A_490 : i32
      %add3A_492 = arith.addi %mul3A_489, %mul3A_491 : i32
      %mul3A_493 = arith.constant 1024 : i32
      %mul3A_494 = arith.muli %add3A_492, %mul3A_493 : i32
      %dma_start3A_495 = arith.constant 12288 : i32
      %dma_start3A_496 = tpu.memref_slice %arg9[%dma_start3A_495] : memref<16384xf32, #tpu.memory_space<vmem>> -> memref<4096xf32, #tpu.memory_space<vmem>>
      %dma_start3A_497 = tpu.memref_slice %arg4[%mul3A_494] : memref<13631488xf32, #tpu.memory_space<hbm>> -> memref<4096xf32, #tpu.memory_space<hbm>>
      %dma_start3A_498 = tpu.memref_slice %arg4[%mul3A_494] : memref<13631488xf32, #tpu.memory_space<hbm>> -> memref<4096xf32, #tpu.memory_space<hbm>>
      %dma_start3A_499 = arith.constant 12288 : i32
      %dma_start3A_500 = tpu.memref_slice %arg9[%dma_start3A_499] : memref<16384xf32, #tpu.memory_space<vmem>> -> memref<4096xf32, #tpu.memory_space<vmem>>
      tpu.enqueue_dma source(%dma_start3A_500 : memref<4096xf32, #tpu.memory_space<vmem>>) target(%dma_start3A_498 : memref<4096xf32, #tpu.memory_space<hbm>>) target_semaphore(%arg13 : memref<!tpu.dma_semaphore, #tpu.memory_space<semaphore_mem>>)
    }
    %scan3A_193 = arith.constant 12 : i32
    %dma_wait3A_194 = arith.constant 0 : i32
    %dma_wait3A_195 = tpu.memref_slice %arg8[%dma_wait3A_194] : memref<16384xf32, #tpu.memory_space<vmem>> -> memref<4096xf32, #tpu.memory_space<vmem>>
    %dma_wait3A_196 = arith.constant 0 : i32
    %dma_wait3A_197 = tpu.memref_slice %arg4[%dma_wait3A_196] : memref<13631488xf32, #tpu.memory_space<hbm>> -> memref<4096xf32, #tpu.memory_space<hbm>>
    %dma_wait3A_198 = arith.constant 0 : i32
    %dma_wait3A_199 = tpu.memref_slice %arg4[%dma_wait3A_198] : memref<13631488xf32, #tpu.memory_space<hbm>> -> memref<4096xf32, #tpu.memory_space<hbm>>
    %dma_wait3A_200 = arith.constant 0 : i32
    %dma_wait3A_201 = tpu.memref_slice %arg8[%dma_wait3A_200] : memref<16384xf32, #tpu.memory_space<vmem>> -> memref<4096xf32, #tpu.memory_space<vmem>>
    tpu.wait_dma2 semaphore(%arg12 : memref<!tpu.dma_semaphore, #tpu.memory_space<semaphore_mem>>) src(%dma_wait3A_201 : memref<4096xf32, #tpu.memory_space<vmem>>) dst(%dma_wait3A_199 : memref<4096xf32, #tpu.memory_space<hbm>>)
    %dma_wait3A_202 = arith.constant 0 : i32
    %dma_wait3A_203 = tpu.memref_slice %arg8[%dma_wait3A_202] : memref<16384xf32, #tpu.memory_space<vmem>> -> memref<4096xf32, #tpu.memory_space<vmem>>
    %dma_wait3A_204 = arith.constant 0 : i32
    %dma_wait3A_205 = tpu.memref_slice %arg4[%dma_wait3A_204] : memref<13631488xf32, #tpu.memory_space<hbm>> -> memref<4096xf32, #tpu.memory_space<hbm>>
    %dma_wait3A_206 = arith.constant 0 : i32
    %dma_wait3A_207 = tpu.memref_slice %arg4[%dma_wait3A_206] : memref<13631488xf32, #tpu.memory_space<hbm>> -> memref<4096xf32, #tpu.memory_space<hbm>>
    %dma_wait3A_208 = arith.constant 0 : i32
    %dma_wait3A_209 = tpu.memref_slice %arg8[%dma_wait3A_208] : memref<16384xf32, #tpu.memory_space<vmem>> -> memref<4096xf32, #tpu.memory_space<vmem>>
    tpu.wait_dma2 semaphore(%arg12 : memref<!tpu.dma_semaphore, #tpu.memory_space<semaphore_mem>>) src(%dma_wait3A_209 : memref<4096xf32, #tpu.memory_space<vmem>>) dst(%dma_wait3A_207 : memref<4096xf32, #tpu.memory_space<hbm>>)
    %dma_wait3A_210 = arith.constant 0 : i32
    %dma_wait3A_211 = tpu.memref_slice %arg8[%dma_wait3A_210] : memref<16384xf32, #tpu.memory_space<vmem>> -> memref<4096xf32, #tpu.memory_space<vmem>>
    %dma_wait3A_212 = arith.constant 0 : i32
    %dma_wait3A_213 = tpu.memref_slice %arg4[%dma_wait3A_212] : memref<13631488xf32, #tpu.memory_space<hbm>> -> memref<4096xf32, #tpu.memory_space<hbm>>
    %dma_wait3A_214 = arith.constant 0 : i32
    %dma_wait3A_215 = tpu.memref_slice %arg4[%dma_wait3A_214] : memref<13631488xf32, #tpu.memory_space<hbm>> -> memref<4096xf32, #tpu.memory_space<hbm>>
    %dma_wait3A_216 = arith.constant 0 : i32
    %dma_wait3A_217 = tpu.memref_slice %arg8[%dma_wait3A_216] : memref<16384xf32, #tpu.memory_space<vmem>> -> memref<4096xf32, #tpu.memory_space<vmem>>
    tpu.wait_dma2 semaphore(%arg12 : memref<!tpu.dma_semaphore, #tpu.memory_space<semaphore_mem>>) src(%dma_wait3A_217 : memref<4096xf32, #tpu.memory_space<vmem>>) dst(%dma_wait3A_215 : memref<4096xf32, #tpu.memory_space<hbm>>)
    %dma_wait3A_218 = arith.constant 0 : i32
    %dma_wait3A_219 = tpu.memref_slice %arg8[%dma_wait3A_218] : memref<16384xf32, #tpu.memory_space<vmem>> -> memref<4096xf32, #tpu.memory_space<vmem>>
    %dma_wait3A_220 = arith.constant 0 : i32
    %dma_wait3A_221 = tpu.memref_slice %arg4[%dma_wait3A_220] : memref<13631488xf32, #tpu.memory_space<hbm>> -> memref<4096xf32, #tpu.memory_space<hbm>>
    %dma_wait3A_222 = arith.constant 0 : i32
    %dma_wait3A_223 = tpu.memref_slice %arg4[%dma_wait3A_222] : memref<13631488xf32, #tpu.memory_space<hbm>> -> memref<4096xf32, #tpu.memory_space<hbm>>
    %dma_wait3A_224 = arith.constant 0 : i32
    %dma_wait3A_225 = tpu.memref_slice %arg8[%dma_wait3A_224] : memref<16384xf32, #tpu.memory_space<vmem>> -> memref<4096xf32, #tpu.memory_space<vmem>>
    tpu.wait_dma2 semaphore(%arg12 : memref<!tpu.dma_semaphore, #tpu.memory_space<semaphore_mem>>) src(%dma_wait3A_225 : memref<4096xf32, #tpu.memory_space<vmem>>) dst(%dma_wait3A_223 : memref<4096xf32, #tpu.memory_space<hbm>>)
    %dma_wait3A_226 = arith.constant 0 : i32
    %dma_wait3A_227 = tpu.memref_slice %arg9[%dma_wait3A_226] : memref<16384xf32, #tpu.memory_space<vmem>> -> memref<4096xf32, #tpu.memory_space<vmem>>
    %dma_wait3A_228 = arith.constant 0 : i32
    %dma_wait3A_229 = tpu.memref_slice %arg4[%dma_wait3A_228] : memref<13631488xf32, #tpu.memory_space<hbm>> -> memref<4096xf32, #tpu.memory_space<hbm>>
    %dma_wait3A_230 = arith.constant 0 : i32
    %dma_wait3A_231 = tpu.memref_slice %arg4[%dma_wait3A_230] : memref<13631488xf32, #tpu.memory_space<hbm>> -> memref<4096xf32, #tpu.memory_space<hbm>>
    %dma_wait3A_232 = arith.constant 0 : i32
    %dma_wait3A_233 = tpu.memref_slice %arg9[%dma_wait3A_232] : memref<16384xf32, #tpu.memory_space<vmem>> -> memref<4096xf32, #tpu.memory_space<vmem>>
    tpu.wait_dma2 semaphore(%arg13 : memref<!tpu.dma_semaphore, #tpu.memory_space<semaphore_mem>>) src(%dma_wait3A_233 : memref<4096xf32, #tpu.memory_space<vmem>>) dst(%dma_wait3A_231 : memref<4096xf32, #tpu.memory_space<hbm>>)
    %dma_wait3A_234 = arith.constant 0 : i32
    %dma_wait3A_235 = tpu.memref_slice %arg9[%dma_wait3A_234] : memref<16384xf32, #tpu.memory_space<vmem>> -> memref<4096xf32, #tpu.memory_space<vmem>>
    %dma_wait3A_236 = arith.constant 0 : i32
    %dma_wait3A_237 = tpu.memref_slice %arg4[%dma_wait3A_236] : memref<13631488xf32, #tpu.memory_space<hbm>> -> memref<4096xf32, #tpu.memory_space<hbm>>
    %dma_wait3A_238 = arith.constant 0 : i32
    %dma_wait3A_239 = tpu.memref_slice %arg4[%dma_wait3A_238] : memref<13631488xf32, #tpu.memory_space<hbm>> -> memref<4096xf32, #tpu.memory_space<hbm>>
    %dma_wait3A_240 = arith.constant 0 : i32
    %dma_wait3A_241 = tpu.memref_slice %arg9[%dma_wait3A_240] : memref<16384xf32, #tpu.memory_space<vmem>> -> memref<4096xf32, #tpu.memory_space<vmem>>
    tpu.wait_dma2 semaphore(%arg13 : memref<!tpu.dma_semaphore, #tpu.memory_space<semaphore_mem>>) src(%dma_wait3A_241 : memref<4096xf32, #tpu.memory_space<vmem>>) dst(%dma_wait3A_239 : memref<4096xf32, #tpu.memory_space<hbm>>)
    %dma_wait3A_242 = arith.constant 0 : i32
    %dma_wait3A_243 = tpu.memref_slice %arg9[%dma_wait3A_242] : memref<16384xf32, #tpu.memory_space<vmem>> -> memref<4096xf32, #tpu.memory_space<vmem>>
    %dma_wait3A_244 = arith.constant 0 : i32
    %dma_wait3A_245 = tpu.memref_slice %arg4[%dma_wait3A_244] : memref<13631488xf32, #tpu.memory_space<hbm>> -> memref<4096xf32, #tpu.memory_space<hbm>>
    %dma_wait3A_246 = arith.constant 0 : i32
    %dma_wait3A_247 = tpu.memref_slice %arg4[%dma_wait3A_246] : memref<13631488xf32, #tpu.memory_space<hbm>> -> memref<4096xf32, #tpu.memory_space<hbm>>
    %dma_wait3A_248 = arith.constant 0 : i32
    %dma_wait3A_249 = tpu.memref_slice %arg9[%dma_wait3A_248] : memref<16384xf32, #tpu.memory_space<vmem>> -> memref<4096xf32, #tpu.memory_space<vmem>>
    tpu.wait_dma2 semaphore(%arg13 : memref<!tpu.dma_semaphore, #tpu.memory_space<semaphore_mem>>) src(%dma_wait3A_249 : memref<4096xf32, #tpu.memory_space<vmem>>) dst(%dma_wait3A_247 : memref<4096xf32, #tpu.memory_space<hbm>>)
    %dma_wait3A_250 = arith.constant 0 : i32
    %dma_wait3A_251 = tpu.memref_slice %arg9[%dma_wait3A_250] : memref<16384xf32, #tpu.memory_space<vmem>> -> memref<4096xf32, #tpu.memory_space<vmem>>
    %dma_wait3A_252 = arith.constant 0 : i32
    %dma_wait3A_253 = tpu.memref_slice %arg4[%dma_wait3A_252] : memref<13631488xf32, #tpu.memory_space<hbm>> -> memref<4096xf32, #tpu.memory_space<hbm>>
    %dma_wait3A_254 = arith.constant 0 : i32
    %dma_wait3A_255 = tpu.memref_slice %arg4[%dma_wait3A_254] : memref<13631488xf32, #tpu.memory_space<hbm>> -> memref<4096xf32, #tpu.memory_space<hbm>>
    %dma_wait3A_256 = arith.constant 0 : i32
    %dma_wait3A_257 = tpu.memref_slice %arg9[%dma_wait3A_256] : memref<16384xf32, #tpu.memory_space<vmem>> -> memref<4096xf32, #tpu.memory_space<vmem>>
    tpu.wait_dma2 semaphore(%arg13 : memref<!tpu.dma_semaphore, #tpu.memory_space<semaphore_mem>>) src(%dma_wait3A_257 : memref<4096xf32, #tpu.memory_space<vmem>>) dst(%dma_wait3A_255 : memref<4096xf32, #tpu.memory_space<hbm>>)
    return
  }
}

</mosaic_0001>

<sc_bundles>
// kernel: kernel.4.cloned.1.call-start
scs
__scs_entry_jumppad:
0x0: {  	(pc) =	sbr.rel $0x88, $3  }
0x1: {  	(tag) =	ssettag $0x0;
	lr =	simm.s32 $0x1  }
0x2: {  	[smem:$0x3F9F] =	sst lr;
	_ =	strace $0xD0000000  }
0x3: {  	_ = 	snop  }
0x4: {  	_ = 	snop  }
0x5: {  	_ = 	snop  }
0x6: {  	_ = 	snop  }
0x7: {  	_ = 	snop  }
__scs_overlays_trampoline_lowered:
0x8: {  	[smem:$0x3FAE] =	sst s0  }
0x9: {  	[smem:$0x3FAF] =	sst s1  }
0xa: {  	[smem:$0x3FB0] =	sst s2  }
0xb: {  	[smem:$0x3FB1] =	sst s3  }
0xc: {  	[smem:$0x3FB2] =	sst s4  }
0xd: {  	[smem:$0x3FB3] =	sst s5  }
0xe: {  	[smem:$0x3FB4] =	sst s6  }
0xf: {  	[smem:$0x3FB5] =	sst s7  }
0x10: {  	[smem:$0x3FB6] =	sst s8  }
0x11: {  	[smem:$0x3FB7] =	sst s9;
	s0 =	simm.s32 @!p0 $0x0  }
0x12: {  	s1 =	sld [smem:$0x3F9D];
	s0 =	simm.s32 @p0 $0x1  }
0x13: {  	[smem:$0x3FB8] =	sst s0;
	s0 =	simm.s32 @!p1 $0x0  }
0x14: {  	s2 =	sld [smem:$0x3F9C];
	s0 =	simm.s32 @p1 $0x1  }
0x15: {  	[smem:$0x3FB9] =	sst s0;
	s0 =	simm.s32 @!p2 $0x0  }
0x16: {  	s3 =	sld [smem:$0x3FDB];
	s0 =	simm.s32 @p2 $0x1  }
0x17: {  	s4 =	simm.s32 $0x1BF5;
	[smem:$0x3FBB] =	sst s0  }
0x18: {  	s0 =	sld [smem:$0x3F9E];
	_ =	swait.ge [sflag:s4], $0x0  }
0x19: {  	s7 =	sld [smem:$0x3F9F]  }
0x1a: {  	s8 =	sadd.s32 $0xFFFFE003, lr  }
0x1b: {  	s9 =	sadd.s32 $0xFFFFFEF7, lr;
	s5 =	simm.s32 $0xFFFFFFFF;
	p2 =	slt.u32 s8, $0xFFFFF086  }
0x1c: {  	p1 =	slt.u32 s9, $0xF7A;
	s5 =	simm.s32 @!p2 $0x0  }
0x1d: {  	s5 =	simm.s32 @p1 $0x1;
	p0 =	seq.s32 s7, s2  }
0x1e: {  	s7 =	smul.u32 @!p0 $0xF7A, s2;
	p2 =	seq.s32 @!p0 s5, $0x0  }
0x1f: {  	s9 =	smul.u32 $0xF7A, s1;
	s8 =	simm.s32 @!p0 $0x1BF5;
	p2 =	por !p2, p0  }
0x20: {  	[sflag:s8] =	ssyncset.s32 @!p0 $0xFFFFF086;
	s6 =	sadd.s32 @!p0 s3, s7;
	s7 =	simm.s32 @!p0 $0x108  }
0x21: {  	s3 =	sadd.s32 s3, s9;
	s6 =	sadd.s32 @!p0 $0x88, s6;
	s7 =	simm.s32 @p2 $0x1082  }
0x22: {  	[simem:s7], [sflag:s8] =	dma.local @!p0 [hbm:s6], $0xF7A  }
0x23: {  	s9 =	sor.u32 $0xD0000000, s2;
	s6 =	simm.s32 $0x108;
	_ =	swait.ge @!p0 [sflag:s8], $0x0  }
0x24: {  	s3 =	sadd.s32 $0x88, s3;
	s6 =	simm.s32 @!p1 $0x1082;
	[sflag:s4] =	ssyncset.s32 $0xFFFFF086  }
0x25: {  	[simem:s6], [sflag:s4] =	dma.local [hbm:s3], $0xF7A  }
0x26: {  	[smem:$0x3F9F] =	sst s1;
	(tag) =	ssettag s2;
	_ =	strace s9  }
0x27: {  	s1 =	sld [smem:$0x3FAF]  }
0x28: {  	s2 =	sld [smem:$0x3FB0]  }
0x29: {  	s4 =	sld [smem:$0x3FB2]  }
0x2a: {  	p0 =	seq.s32 s5, $0x0;
	s5 =	sld [smem:$0x3FB3]  }
0x2b: {  	s6 =	sld [smem:$0x3FB4]  }
0x2c: {  	s7 =	sld [smem:$0x3FB5]  }
0x2d: {  	s3 =	simm.s32 $0x108;
	s8 =	sld [smem:$0x3FB6]  }
0x2e: {  	s3 =	simm.s32 @!p0 $0x1082;
	s9 =	sld [smem:$0x3FB7]  }
0x2f: {  	lr =	sadd.s32 s0, s3;
	s0 =	sld [smem:$0x3FAE]  }
0x30: {  	s3 =	sld [smem:$0x3FB1]  }
0x31: {  	[smem:$0x3FBA] =	sst s10  }
0x32: {  	s10 =	sld [smem:$0x3FB8];
	_ =	sdelay $0x3  }
0x33: {  	p0 =	seq.s32 s10, $0x1;
	s10 =	sld [smem:$0x3FBA];
	_ =	sdelay $0x3  }
0x34: {  	[smem:$0x3FBA] =	sst s10  }
0x35: {  	s10 =	sld [smem:$0x3FB9];
	_ =	sdelay $0x3  }
0x36: {  	p1 =	seq.s32 s10, $0x1;
	s10 =	sld [smem:$0x3FBA];
	_ =	sdelay $0x3  }
0x37: {  	[smem:$0x3FBA] =	sst s10  }
0x38: {  	s10 =	sld [smem:$0x3FBB]  }
0x39: {  	_ = 	snop;
	(pc) =	sbr.ind lr, $3  }
0x3a: {  	_ = 	snop  }
0x3b: {  	_ = 	snop  }
0x3c: {  	p2 =	seq.s32 s10, $0x1;
	s10 =	sld [smem:$0x3FBA]  }
0x3d: {  	_ =	shalt  }
0x3e: {  	_ =	shalt  }
0x3f: {  	_ =	shalt  }
0x40: {  	_ =	shalt  }
0x41: {  	_ =	shalt  }
0x42: {  	_ =	shalt  }
0x43: {  	_ =	shalt  }
0x44: {  	_ =	shalt  }
0x45: {  	_ =	shalt  }
0x46: {  	_ =	shalt  }
0x47: {  	_ =	shalt  }
0x48: {  	_ =	shalt  }
0x49: {  	_ =	shalt  }
0x4a: {  	_ =	shalt  }
0x4b: {  	_ =	shalt  }
0x4c: {  	_ =	shalt  }
0x4d: {  	_ =	shalt  }
0x4e: {  	_ =	shalt  }
0x4f: {  	_ =	shalt  }
0x50: {  	_ =	shalt  }
0x51: {  	_ =	shalt  }
0x52: {  	_ =	shalt  }
0x53: {  	_ =	shalt  }
0x54: {  	_ =	shalt  }
0x55: {  	_ =	shalt  }
0x56: {  	_ =	shalt  }
0x57: {  	_ =	shalt  }
0x58: {  	_ =	shalt  }
0x59: {  	_ =	shalt  }
0x5a: {  	_ =	shalt  }
0x5b: {  	_ =	shalt  }
0x5c: {  	_ =	shalt  }
0x5d: {  	_ =	shalt  }
0x5e: {  	_ =	shalt  }
0x5f: {  	_ =	shalt  }
0x60: {  	_ =	shalt  }
0x61: {  	_ =	shalt  }
0x62: {  	_ =	shalt  }
0x63: {  	_ =	shalt  }
0x64: {  	_ =	shalt  }
0x65: {  	_ =	shalt  }
0x66: {  	_ =	shalt  }
0x67: {  	_ =	shalt  }
0x68: {  	_ =	shalt  }
0x69: {  	_ =	shalt  }
0x6a: {  	_ =	shalt  }
0x6b: {  	_ =	shalt  }
0x6c: {  	_ =	shalt  }
0x6d: {  	_ =	shalt  }
0x6e: {  	_ =	shalt  }
0x6f: {  	_ =	shalt  }
0x70: {  	_ =	shalt  }
0x71: {  	_ =	shalt  }
0x72: {  	_ =	shalt  }
0x73: {  	_ =	shalt  }
0x74: {  	_ =	shalt  }
0x75: {  	_ =	shalt  }
0x76: {  	_ =	shalt  }
0x77: {  	_ =	shalt  }
0x78: {  	_ =	shalt  }
0x79: {  	_ =	shalt  }
0x7a: {  	_ =	shalt  }
0x7b: {  	_ =	shalt  }
0x7c: {  	_ =	shalt  }
0x7d: {  	_ =	shalt  }
0x7e: {  	_ =	shalt  }
0x7f: {  	_ =	shalt  }
0x80: {  	_ =	shalt  }
0x81: {  	_ =	shalt  }
0x82: {  	_ =	shalt  }
0x83: {  	_ =	shalt  }
0x84: {  	_ =	shalt  }
0x85: {  	_ =	shalt  }
0x86: {  	_ =	shalt  }
0x87: {  	_ =	shalt  }
.Lfunc_end0:
.L_simem_size_0:
called_computation_lowered:
.L_overlay_start_0:
0x88: {  	s2 =	sld [smem:$0x3FD9]  }
0x89: {  	s3 =	sld [smem:$0x3FFE];
	_ =	sdelay $0x1  }
0x8a: {  	s1 =	srdreg.scid  }
0x8b: {  	s0 =	sand.u32 $0x1, s1  }
0x8c: {  	s17 =	sshll.u32 s0, $0xA;
	s2 =	sadd.s32 s3, s2  }
0x8d: {  	s2 =	sadd.s32 s2, s17  }
0x8e: {  	[smem:$0x3FC6] =	sst s2  }
0x8f: {  	_ = 	snop  }
0x90: {  	s2 =	sld [smem:$0x3FC9];
	(tm) =	ssettm $0x1  }
0x91: {  	s18 =	sld [smem:$0x3FFB];
	_ =	sdelay $0x3  }
0x92: {  	_ =	strace s18  }
0x93: {  	s3 =	sld [smem:$0x3FFC];
	_ =	sdelay $0x3  }
0x94: {  	_ =	strace s3  }
0x95: {  	s3 =	sld [smem:$0x3FFD];
	_ =	sdelay $0x3  }
0x96: {  	_ =	strace s3  }
0x97: {  	_ =	strace $0x8FFFFFFF  }
0x98: {  	s19 =	sld [smem:$0x3FDB];
	_ =	sdelay $0x1  }
0x99: {  	s4 =	simm.s32 $_scs_section_size  }
0x9a: {  	s5 =	simm.s32 $_size__tile_overlayer_lowered;
	s6 =	simm.s32 $_tile_overlayer_lowered  }
0x9b: {  	s22 =	simm.s32 $0x1BFF;
	s21 =	sshll.u32 s6, $0x1;
	s3 =	sadd.s32 s4, s19  }
0x9c: {  	s7 =	simm.s32 $0x0;
	s20 =	sshll.u32 s5, $0x1;
	s5 =	sadd.s32 s21, s3  }
0x9d: {  	[timem:s7], [sflag:s22] =	dma.local [hbm:s5], s20  }
0x9e: {  	_ =	swait.ge [sflag:s22], s20  }
0x9f: {  	s4 =	ssub.s32 $0x0, s20;
	[sflag:s22] =	ssyncset.done $0x0  }
0xa0: {  	[sflag:s22] =	ssyncadd.s32 s4;
	_ =	sdelay $0x1  }
0xa1: {  	s23 =	simm.s32 $0x1B8B  }
0xa2: {  	_ =	swait.ge [sflag:s23], $0x1  }
0xa3: {  	[sflag:s23] =	ssyncset.done $0x0  }
0xa4: {  	s25 =	simm.s32 $0x1B8E;
	s24 =	sld [smem:$0x3FFE];
	[sflag:s23] =	ssyncadd.s32 $0xFFFFFFFF  }
0xa5: {  	s26 =	simm.s32 $execute0_lowered;
	[smem:$0x3FD2] =	sst s25  }
0xa6: {  	s5 =	sshll.u32 s26, $0x1;
	_ =	strace $0x80000046;
	[dreg:$0x1] =	wrdreg $0xFFFFFFFF  }
0xa7: {  	s28 =	simm.s32 $_size_execute0_lowered;
	s3 =	sadd.s32 s3, s5;
	[dreg:$0x0] =	wrdreg $0x0  }
0xa8: {  	s5 =	sshll.u32 s28, $0x1;
	[dreg:$0x2] =	wrdreg s3  }
0xa9: {  	[dreg:$0x3] =	wrdreg s5  }
0xaa: {  	[dreg:$0x4] =	wrdreg $0xC0  }
0xab: {  	_ =	task [dreg:s7], $0x5FFFF  }
0xac: {  	[dreg:$0x1] =	wrdreg $0xFFFFFFFF  }
0xad: {  	[dreg:$0x0] =	wrdreg $0x60  }
0xae: {  	[dreg:$0x2] =	wrdreg s2  }
0xaf: {  	[dreg:$0x3] =	wrdreg s24  }
0xb0: {  	[dreg:$0x4] =	wrdreg $0x9  }
0xb1: {  	_ =	task.clear_ibuf [dreg:s7], $0x5FFFF;
	_ =	strace $0x90000046  }
0xb2: {  	s29 =	simm.s32 $0x9;
	_ =	strace $0x80000048  }
0xb3: {  	_ =	swait.ge [sflag:s29], $0x1  }
0xb4: {  	[sflag:s29] =	ssyncadd.s32 $0xFFFFFFFF  }
0xb5: {  	_ =	strace $0x90000048  }
0xb6: {  	_ =	sfence  }
0xb7: {  	s30 =	sld [smem:$0x0];
	_ =	sdelay $0x2  }
0xb8: {  	s31 =	sshll.u32 s1, $0xD;
	s1 =	sshrl.u32 s1, $0x2  }
0xb9: {  	s3 =	sand.u32 $0x4000, s31;
	s1 =	sadd.s32 s1, s30  }
0xba: {  	s0 =	sor.u32 s3, s0;
	s1 =	sshll.u32 s1, $0x11  }
0xbb: {  	s0 =	sor.u32 s1, s0  }
0xbc: {  	s0 =	sadd.s32 $0x8F2B, s0  }
0xbd: {  	[sflag:s0] =	ssyncadd.remote.s32 $0x1  }
0xbe: {  	_ =	sfence.sel $0xFFFF  }
0xbf: {  	[dreg:$0x0] =	wrdreg $0xFFFFFFFF;
	(pc) =	sbr.abs _section_cstart, $3  }
0xc0: {  	[dreg:$0x1] =	wrdreg $0xFFFFFFFF  }
0xc1: {  	_ =	task.clear_ibuf [dreg:s7], $0x2FFFF;
	_ =	strace $0x9FFFFFFF  }
0xc2: {  	(tm) =	ssettm $0x7FFFFFFF  }
0xc3: {  	_ =	shalt  }
tec
execute0_lowered:
.L_overlay_start_1:
0x0: {  	(tag) =	ssettag $0x1  }
0x1: {  	s3 =	rddreg [dreg:$0x0];
	s1 =	srdreg.scid  }
0x2: {  	s0 =	stileid.u32;
	s4 =	rddreg [dreg:$0x1]  }
0x3: {  	s2 =	simm.s32 $0x0;
	s8 =	simm.s32 $0x1;
	s9 =	simm.s32 $0x4000  }
0x4: {  	s10 =	simm.s32 $0x0;
	s5 =	sand.u32 $0x1, s1;
	s6 =	sshll.u32 s0, $0x1  }
0x5: {  	s1 =	rddreg [dreg:$0x2];
	s6 =	sor.u32 s5, s6;
	s5 =	ssub.s32 $0x2, s5  }
0x6: {  	[smem:$0x7FF] =	sst s2;
	s7 =	smul.u32 $0x680, s6;
	s31 =	sshrl.u32 s5, $0x1  }
0x7: {  	_ =	strace $0x80000047;
	s6 =	sshll.u32 s6, $0x9;
	s5 =	ssub.s32 s5, s31  }
0x8: {  	s3 =	sadd.s32 s3, s6;
	s6 =	simm.s32 $0x1000;
	s4 =	sadd.s32 s7, s4  }
0x9: {  	s5 =	smax.u32 s5, $0x1;
	s7 =	simm.s32 $0x20000;
	s4 =	sadd.s32 $0x800, s4  }
.LBB2_1:
0xa: {  	[tilespmem:s2], [sflag:$0x1] =	stream.strided.gather [hbm4b:s3+s6], $0x4000, s7, s6, $0x38;
	[tilespmem:$0x7400] =	vst v63  }
0xb: {  	s12 =	simm.s32 $0x0  }
0xc: {  	s11 =	simm.s32 $0x0;
	s14 =	sand.u32 $0xC00, s2;
	s13 =	sand.u32 $0x3000, s12  }
0xd: {  	_ =	swait.ge [sflag:s8], $0x4000;
	s11 =	sand.u32 $0x380, s11;
	s13 =	sor.u32 s14, s13  }
0xe: {  	s31 =	sand.u32 $0x70, s2;
	[sflag:s8] =	ssyncset.done $0x0;
	s11 =	sor.u32 s11, s13  }
0xf: {  	[sflag:s8] =	ssyncadd.s32 $0xFFFFC000;
	s13 =	sor.u32 s31, s11  }
0x10: {  	v0 =	vld [tilespmem:s13+$0x0];
	_ =	sdelay $0x2  }
0x11: {  	s17 =	simm.s32 $0x4;
	s15 =	simm.s32 $0x2;
	s16 =	sand.u32 $0x1F0, s2  }
0x12: {  	s14 =	simm.s32 $0x80;
	s11 =	simm.s32 $0x10;
	s13 =	simm.s32 $0x10  }
.LBB2_2:
0x13: {  	p0 =	sne.s32 s15, $0x33F;
	s18 =	sand.u32 $0x3000, s13;
	s19 =	sand.u32 $0xC00, s14;
	vm0 =	vgt.s32 v0, $0x0  }
0x14: {  	s17 =	sand.u32 $0x380, s17;
	s12 =	sand.u32 $0x3FFFFE00, s12;
	s18 =	sor.u32 s19, s18;
	v0 =	vnsel vm0, $0x0, v0  }
0x15: {  	s19 =	sand.u32 $0x70, s11;
	s12 =	sor.u32 s16, s12;
	s17 =	sor.u32 s17, s18;
	v0 =	vmin.u32 v0, $0xF423F  }
0x16: {  	s18 =	smov.u32 s11;
	s16 =	sor.u32 s19, s17;
	[tilespmem:s12+$0x4000] =	vst v0;
	s12 =	smov.u32 s13  }
.Ltmp0:
0x17: {  	v0 =	vld [tilespmem:s16+$0x0];
	(pc) =	sbr.rel @p0 .LBB2_2-.Ltmp0, $3  }
0x18: {  	_ =	sdelay $0x1  }
0x19: {  	s14 =	sadd.s32 $0x80, s14;
	s11 =	sadd.s32 $0x10, s11;
	s17 =	sshll.u32 s15, $0x2  }
0x1a: {  	s13 =	sshll.u32 s15, $0x4;
	s15 =	sadd.s32 $0x1, s15;
	s16 =	sand.u32 $0x1F0, s18  }
0x1b: {  	s15 =	sand.u32 $0x3000, s13;
	s14 =	sand.u32 $0xC00, s14;
	vm0 =	vgt.s32 v0, $0x0  }
0x1c: {  	s17 =	sand.u32 $0x380, s17;
	s12 =	sand.u32 $0x3FFFFE00, s12;
	s14 =	sor.u32 s14, s15;
	v0 =	vnsel vm0, $0x0, v0  }
0x1d: {  	s29 =	sand.u32 $0x70, s11;
	s12 =	sor.u32 s16, s12;
	s14 =	sor.u32 s17, s14;
	v0 =	vmin.u32 v0, $0xF423F  }
0x1e: {  	s14 =	sor.u32 s29, s14;
	[tilespmem:s12+$0x4000] =	vst v0  }
0x1f: {  	v0 =	vld [tilespmem:s14+$0x0];
	_ =	sdelay $0x4  }
0x20: {  	vm15 =	vgt.s32 v0, $0x0  }
0x21: {  	s30 =	sand.u32 $0x1F0, s11;
	s31 =	sand.u32 $0x3FFFFE00, s13;
	s10 =	sadd.s32 $0x1, s10;
	v0 =	vnsel vm15, $0x0, v0  }
0x22: {  	s11 =	sor.u32 s30, s31;
	p0 =	sne.s32 s10, s5;
	v0 =	vmin.u32 v0, $0xF423F  }
.Ltmp1:
0x23: {  	[tilespmem:s11+$0x4000] =	vst v0;
	(pc) =	sbr.rel @p0 .LBB2_1-.Ltmp1, $4  }
0x24: {  	[hbm4b:s4+s2] =	stream.linear.scatter [tilespmem:s9], [sflag:$0x1], $0x3400, $0x38;
	[tilespmem:$0x7400] =	vst v63  }
0x25: {  	_ =	swait.ge [sflag:s8], $0x3400  }
0x26: {  	[sflag:s8] =	ssyncset.done $0x0  }
0x27: {  	[sflag:s8] =	ssyncadd.s32 $0xFFFFCC00  }
0x28: {  	_ =	sfence.sel $0x180000  }
0x29: {  	[bflag:$0x0] =	sbarrier.arrive $0xFFFF  }
0x2a: {  	p0 =	sne.s32 s0, $0x0;
	_ =	strace $0x90000047  }
0x2b: {  	s0 =	sadd.s32 @!p0 $0x100000, s1;
	[bflag:$0x2] =	sbarrier.arrive $0xFFFF  }
0x2c: {  	[sflag:s0] =	ssyncadd.tile.s32 @!p0 $0x1;
	_ =	shalt  }
.Lfunc_end2:
_tile_overlayer_lowered:
.L_overlay_start_2:
0x2d: {  	(tag) =	ssettag $0x2  }
0x2e: {  	s0 =	rddreg [dreg:$0x0];
	s2 =	stileid.u32  }
0x2f: {  	s1 =	rddreg [dreg:$0x1];
	p0 =	sne.s32 s2, $0x0  }
0x30: {  	s3 =	rddreg [dreg:$0x2];
	[bflag:$0x3] =	sbarrier.arrive $0xFFFF;
	s2 =	simm.s32 @!p0 $0x1C01  }
0x31: {  	[timem:s3], [sflag:s2] =	dma.local @!p0 [hbm:s0], s1  }
0x32: {  	s0 =	simm.s32 @!p0 $0x1  }
0x33: {  	_ =	swait.ge @!p0 [sflag:s0], s1  }
0x34: {  	s1 =	ssub.s32 @!p0 $0x0, s1;
	[sflag:s0] =	ssyncset.done @!p0 $0x0  }
0x35: {  	[sflag:s0] =	ssyncadd.s32 @!p0 s1  }
0x36: {  	[bflag:$0x3] =	sbarrier.arrive $0xFFFF  }
0x37: {  	_ =	shalt  }

// kernel: kernel.7.cloned.1.call-start
scs
__scs_entry_jumppad:
0x0: {  	(pc) =	sbr.rel $0x88, $3  }
0x1: {  	(tag) =	ssettag $0x0;
	lr =	simm.s32 $0x1  }
0x2: {  	[smem:$0x3F9F] =	sst lr;
	_ =	strace $0xD0000000  }
0x3: {  	_ = 	snop  }
0x4: {  	_ = 	snop  }
0x5: {  	_ = 	snop  }
0x6: {  	_ = 	snop  }
0x7: {  	_ = 	snop  }
__scs_overlays_trampoline_lowered:
0x8: {  	[smem:$0x3FAE] =	sst s0  }
0x9: {  	[smem:$0x3FAF] =	sst s1  }
0xa: {  	[smem:$0x3FB0] =	sst s2  }
0xb: {  	[smem:$0x3FB1] =	sst s3  }
0xc: {  	[smem:$0x3FB2] =	sst s4  }
0xd: {  	[smem:$0x3FB3] =	sst s5  }
0xe: {  	[smem:$0x3FB4] =	sst s6  }
0xf: {  	[smem:$0x3FB5] =	sst s7  }
0x10: {  	[smem:$0x3FB6] =	sst s8  }
0x11: {  	[smem:$0x3FB7] =	sst s9;
	s0 =	simm.s32 @!p0 $0x0  }
0x12: {  	s1 =	sld [smem:$0x3F9D];
	s0 =	simm.s32 @p0 $0x1  }
0x13: {  	[smem:$0x3FB8] =	sst s0;
	s0 =	simm.s32 @!p1 $0x0  }
0x14: {  	s2 =	sld [smem:$0x3F9C];
	s0 =	simm.s32 @p1 $0x1  }
0x15: {  	[smem:$0x3FB9] =	sst s0;
	s0 =	simm.s32 @!p2 $0x0  }
0x16: {  	s3 =	sld [smem:$0x3FDB];
	s0 =	simm.s32 @p2 $0x1  }
0x17: {  	s4 =	simm.s32 $0x1BF5;
	[smem:$0x3FBB] =	sst s0  }
0x18: {  	s0 =	sld [smem:$0x3F9E];
	_ =	swait.ge [sflag:s4], $0x0  }
0x19: {  	s7 =	sld [smem:$0x3F9F]  }
0x1a: {  	s8 =	sadd.s32 $0xFFFFE003, lr  }
0x1b: {  	s9 =	sadd.s32 $0xFFFFFEF7, lr;
	s5 =	simm.s32 $0xFFFFFFFF;
	p2 =	slt.u32 s8, $0xFFFFF086  }
0x1c: {  	p1 =	slt.u32 s9, $0xF7A;
	s5 =	simm.s32 @!p2 $0x0  }
0x1d: {  	s5 =	simm.s32 @p1 $0x1;
	p0 =	seq.s32 s7, s2  }
0x1e: {  	s7 =	smul.u32 @!p0 $0xF7A, s2;
	p2 =	seq.s32 @!p0 s5, $0x0  }
0x1f: {  	s9 =	smul.u32 $0xF7A, s1;
	s8 =	simm.s32 @!p0 $0x1BF5;
	p2 =	por !p2, p0  }
0x20: {  	[sflag:s8] =	ssyncset.s32 @!p0 $0xFFFFF086;
	s6 =	sadd.s32 @!p0 s3, s7;
	s7 =	simm.s32 @!p0 $0x108  }
0x21: {  	s3 =	sadd.s32 s3, s9;
	s6 =	sadd.s32 @!p0 $0x88, s6;
	s7 =	simm.s32 @p2 $0x1082  }
0x22: {  	[simem:s7], [sflag:s8] =	dma.local @!p0 [hbm:s6], $0xF7A  }
0x23: {  	s9 =	sor.u32 $0xD0000000, s2;
	s6 =	simm.s32 $0x108;
	_ =	swait.ge @!p0 [sflag:s8], $0x0  }
0x24: {  	s3 =	sadd.s32 $0x88, s3;
	s6 =	simm.s32 @!p1 $0x1082;
	[sflag:s4] =	ssyncset.s32 $0xFFFFF086  }
0x25: {  	[simem:s6], [sflag:s4] =	dma.local [hbm:s3], $0xF7A  }
0x26: {  	[smem:$0x3F9F] =	sst s1;
	(tag) =	ssettag s2;
	_ =	strace s9  }
0x27: {  	s1 =	sld [smem:$0x3FAF]  }
0x28: {  	s2 =	sld [smem:$0x3FB0]  }
0x29: {  	s4 =	sld [smem:$0x3FB2]  }
0x2a: {  	p0 =	seq.s32 s5, $0x0;
	s5 =	sld [smem:$0x3FB3]  }
0x2b: {  	s6 =	sld [smem:$0x3FB4]  }
0x2c: {  	s7 =	sld [smem:$0x3FB5]  }
0x2d: {  	s3 =	simm.s32 $0x108;
	s8 =	sld [smem:$0x3FB6]  }
0x2e: {  	s3 =	simm.s32 @!p0 $0x1082;
	s9 =	sld [smem:$0x3FB7]  }
0x2f: {  	lr =	sadd.s32 s0, s3;
	s0 =	sld [smem:$0x3FAE]  }
0x30: {  	s3 =	sld [smem:$0x3FB1]  }
0x31: {  	[smem:$0x3FBA] =	sst s10  }
0x32: {  	s10 =	sld [smem:$0x3FB8];
	_ =	sdelay $0x3  }
0x33: {  	p0 =	seq.s32 s10, $0x1;
	s10 =	sld [smem:$0x3FBA];
	_ =	sdelay $0x3  }
0x34: {  	[smem:$0x3FBA] =	sst s10  }
0x35: {  	s10 =	sld [smem:$0x3FB9];
	_ =	sdelay $0x3  }
0x36: {  	p1 =	seq.s32 s10, $0x1;
	s10 =	sld [smem:$0x3FBA];
	_ =	sdelay $0x3  }
0x37: {  	[smem:$0x3FBA] =	sst s10  }
0x38: {  	s10 =	sld [smem:$0x3FBB]  }
0x39: {  	_ = 	snop;
	(pc) =	sbr.ind lr, $3  }
0x3a: {  	_ = 	snop  }
0x3b: {  	_ = 	snop  }
0x3c: {  	p2 =	seq.s32 s10, $0x1;
	s10 =	sld [smem:$0x3FBA]  }
0x3d: {  	_ =	shalt  }
0x3e: {  	_ =	shalt  }
0x3f: {  	_ =	shalt  }
0x40: {  	_ =	shalt  }
0x41: {  	_ =	shalt  }
0x42: {  	_ =	shalt  }
0x43: {  	_ =	shalt  }
0x44: {  	_ =	shalt  }
0x45: {  	_ =	shalt  }
0x46: {  	_ =	shalt  }
0x47: {  	_ =	shalt  }
0x48: {  	_ =	shalt  }
0x49: {  	_ =	shalt  }
0x4a: {  	_ =	shalt  }
0x4b: {  	_ =	shalt  }
0x4c: {  	_ =	shalt  }
0x4d: {  	_ =	shalt  }
0x4e: {  	_ =	shalt  }
0x4f: {  	_ =	shalt  }
0x50: {  	_ =	shalt  }
0x51: {  	_ =	shalt  }
0x52: {  	_ =	shalt  }
0x53: {  	_ =	shalt  }
0x54: {  	_ =	shalt  }
0x55: {  	_ =	shalt  }
0x56: {  	_ =	shalt  }
0x57: {  	_ =	shalt  }
0x58: {  	_ =	shalt  }
0x59: {  	_ =	shalt  }
0x5a: {  	_ =	shalt  }
0x5b: {  	_ =	shalt  }
0x5c: {  	_ =	shalt  }
0x5d: {  	_ =	shalt  }
0x5e: {  	_ =	shalt  }
0x5f: {  	_ =	shalt  }
0x60: {  	_ =	shalt  }
0x61: {  	_ =	shalt  }
0x62: {  	_ =	shalt  }
0x63: {  	_ =	shalt  }
0x64: {  	_ =	shalt  }
0x65: {  	_ =	shalt  }
0x66: {  	_ =	shalt  }
0x67: {  	_ =	shalt  }
0x68: {  	_ =	shalt  }
0x69: {  	_ =	shalt  }
0x6a: {  	_ =	shalt  }
0x6b: {  	_ =	shalt  }
0x6c: {  	_ =	shalt  }
0x6d: {  	_ =	shalt  }
0x6e: {  	_ =	shalt  }
0x6f: {  	_ =	shalt  }
0x70: {  	_ =	shalt  }
0x71: {  	_ =	shalt  }
0x72: {  	_ =	shalt  }
0x73: {  	_ =	shalt  }
0x74: {  	_ =	shalt  }
0x75: {  	_ =	shalt  }
0x76: {  	_ =	shalt  }
0x77: {  	_ =	shalt  }
0x78: {  	_ =	shalt  }
0x79: {  	_ =	shalt  }
0x7a: {  	_ =	shalt  }
0x7b: {  	_ =	shalt  }
0x7c: {  	_ =	shalt  }
0x7d: {  	_ =	shalt  }
0x7e: {  	_ =	shalt  }
0x7f: {  	_ =	shalt  }
0x80: {  	_ =	shalt  }
0x81: {  	_ =	shalt  }
0x82: {  	_ =	shalt  }
0x83: {  	_ =	shalt  }
0x84: {  	_ =	shalt  }
0x85: {  	_ =	shalt  }
0x86: {  	_ =	shalt  }
0x87: {  	_ =	shalt  }
.Lfunc_end0:
.L_simem_size_0:
called_computation.1_lowered:
.L_overlay_start_0:
0x88: {  	s2 =	sld [smem:$0x3FD9]  }
0x89: {  	s3 =	sld [smem:$0x3FFE];
	_ =	sdelay $0x1  }
0x8a: {  	s1 =	srdreg.scid  }
0x8b: {  	s0 =	sand.u32 $0x1, s1  }
0x8c: {  	s17 =	sshll.u32 s0, $0xA;
	s2 =	sadd.s32 s3, s2  }
0x8d: {  	s2 =	sadd.s32 s2, s17  }
0x8e: {  	[smem:$0x3FC6] =	sst s2  }
0x8f: {  	_ = 	snop  }
0x90: {  	s2 =	sld [smem:$0x3FD0];
	(tm) =	ssettm $0x1  }
0x91: {  	s18 =	sld [smem:$0x3FFB];
	_ =	sdelay $0x3  }
0x92: {  	_ =	strace s18  }
0x93: {  	s3 =	sld [smem:$0x3FFC];
	_ =	sdelay $0x3  }
0x94: {  	_ =	strace s3  }
0x95: {  	s3 =	sld [smem:$0x3FFD];
	_ =	sdelay $0x3  }
0x96: {  	_ =	strace s3  }
0x97: {  	_ =	strace $0x8FFFFFFF  }
0x98: {  	s19 =	sld [smem:$0x3FDB];
	_ =	sdelay $0x1  }
0x99: {  	s4 =	simm.s32 $_scs_section_size  }
0x9a: {  	s5 =	simm.s32 $_size__tile_overlayer_lowered;
	s6 =	simm.s32 $_tile_overlayer_lowered  }
0x9b: {  	s22 =	simm.s32 $0x1BFF;
	s21 =	sshll.u32 s6, $0x1;
	s3 =	sadd.s32 s4, s19  }
0x9c: {  	s7 =	simm.s32 $0x0;
	s20 =	sshll.u32 s5, $0x1;
	s5 =	sadd.s32 s21, s3  }
0x9d: {  	[timem:s7], [sflag:s22] =	dma.local [hbm:s5], s20  }
0x9e: {  	_ =	swait.ge [sflag:s22], s20  }
0x9f: {  	s4 =	ssub.s32 $0x0, s20;
	[sflag:s22] =	ssyncset.done $0x0  }
0xa0: {  	[sflag:s22] =	ssyncadd.s32 s4;
	_ =	sdelay $0x1  }
0xa1: {  	s23 =	simm.s32 $0x1B8B  }
0xa2: {  	_ =	swait.ge [sflag:s23], $0x1  }
0xa3: {  	[sflag:s23] =	ssyncset.done $0x0  }
0xa4: {  	s25 =	simm.s32 $0x1B8E;
	s24 =	sld [smem:$0x3FFE];
	[sflag:s23] =	ssyncadd.s32 $0xFFFFFFFF  }
0xa5: {  	s26 =	simm.s32 $execute0_lowered;
	[smem:$0x3FD2] =	sst s25  }
0xa6: {  	s5 =	sshll.u32 s26, $0x1;
	_ =	strace $0x80000049;
	[dreg:$0x1] =	wrdreg $0xFFFFFFFF  }
0xa7: {  	s28 =	simm.s32 $_size_execute0_lowered;
	s3 =	sadd.s32 s3, s5;
	[dreg:$0x0] =	wrdreg $0x0  }
0xa8: {  	s5 =	sshll.u32 s28, $0x1;
	[dreg:$0x2] =	wrdreg s3  }
0xa9: {  	[dreg:$0x3] =	wrdreg s5  }
0xaa: {  	[dreg:$0x4] =	wrdreg $0xC0  }
0xab: {  	_ =	task [dreg:s7], $0x5FFFF  }
0xac: {  	[dreg:$0x1] =	wrdreg $0xFFFFFFFF  }
0xad: {  	[dreg:$0x0] =	wrdreg $0x60  }
0xae: {  	[dreg:$0x2] =	wrdreg s24  }
0xaf: {  	[dreg:$0x3] =	wrdreg s2  }
0xb0: {  	[dreg:$0x4] =	wrdreg $0x9  }
0xb1: {  	_ =	task.clear_ibuf [dreg:s7], $0x5FFFF;
	_ =	strace $0x90000049  }
0xb2: {  	s29 =	simm.s32 $0x9;
	_ =	strace $0x8000004B  }
0xb3: {  	_ =	swait.ge [sflag:s29], $0x1  }
0xb4: {  	[sflag:s29] =	ssyncadd.s32 $0xFFFFFFFF  }
0xb5: {  	_ =	strace $0x9000004B  }
0xb6: {  	_ =	sfence  }
0xb7: {  	s30 =	sld [smem:$0x0];
	_ =	sdelay $0x2  }
0xb8: {  	s31 =	sshll.u32 s1, $0xD;
	s1 =	sshrl.u32 s1, $0x2  }
0xb9: {  	s3 =	sand.u32 $0x4000, s31;
	s1 =	sadd.s32 s1, s30  }
0xba: {  	s0 =	sor.u32 s3, s0;
	s1 =	sshll.u32 s1, $0x11  }
0xbb: {  	s0 =	sor.u32 s1, s0  }
0xbc: {  	s0 =	sadd.s32 $0x8F2B, s0  }
0xbd: {  	[sflag:s0] =	ssyncadd.remote.s32 $0x1  }
0xbe: {  	_ =	sfence.sel $0xFFFF  }
0xbf: {  	[dreg:$0x0] =	wrdreg $0xFFFFFFFF;
	(pc) =	sbr.abs _section_cstart, $3  }
0xc0: {  	[dreg:$0x1] =	wrdreg $0xFFFFFFFF  }
0xc1: {  	_ =	task.clear_ibuf [dreg:s7], $0x2FFFF;
	_ =	strace $0x9FFFFFFF  }
0xc2: {  	(tm) =	ssettm $0x7FFFFFFF  }
0xc3: {  	_ =	shalt  }
tec
execute0_lowered:
.L_overlay_start_1:
0x0: {  	(tag) =	ssettag $0x1  }
0x1: {  	s0 =	srdreg.scid  }
0x2: {  	s2 =	stileid.u32;
	s1 =	rddreg [dreg:$0x0]  }
0x3: {  	s7 =	rddreg [dreg:$0x1];
	s3 =	simm.s32 $0x0;
	s30 =	simm.s32 $0x200  }
0x4: {  	s28 =	simm.s32 $0xB400;
	s29 =	simm.s32 $0x2;
	s9 =	simm.s32 $0x11400  }
0x5: {  	v0 =	vimm.s32 $0x1380;
	vm0 =	vcmask $0x300;
	s12 =	simm.s32 $0x12400;
	s13 =	simm.s32 $0x3;
	s15 =	simm.s32 $0x4  }
0x6: {  	vm14 =	vcmask $0x704;
	s18 =	simm.s32 $0x0;
	s0 =	sand.u32 $0x1, s0;
	s2 =	sshll.u32 s2, $0x1;
	v0 =	vsel vm0, $0x0, v0  }
0x7: {  	vm15 =	vcmask $0xB08;
	[smem:$0x7FF] =	sst s3;
	s2 =	sor.u32 s0, s2;
	s0 =	ssub.s32 $0x2, s0;
	v0 =	vsel vm14, $0x80, v0  }
0x8: {  	vm4 =	vcmask $0xF0C;
	s8 =	sadd.s32 $0x4000, s7;
	s10 =	sadd.s32 $0x8000, s7;
	s5 =	sshrl.u32 s0, $0x1;
	v0 =	vsel vm15, $0x100, v0  }
0x9: {  	vm5 =	vcmask $0x1310;
	s11 =	sadd.s32 $0xC000, s7;
	s0 =	ssub.s32 s0, s5;
	s5 =	sshll.u32 s2, $0x9;
	v0 =	vsel vm4, $0x180, v0  }
0xa: {  	vm6 =	vcmask $0x1714;
	s14 =	sadd.s32 $0x10000, s7;
	s16 =	sadd.s32 $0x14000, s7;
	s20 =	sadd.s32 s7, s5;
	v0 =	vsel vm5, $0x200, v0  }
0xb: {  	vm7 =	vcmask $0x1B18;
	_ =	strace $0x8000004A;
	s21 =	sadd.s32 s5, s8;
	[dreg:$0x4] =	wrdreg s20;
	v0 =	vsel vm6, $0x280, v0  }
0xc: {  	vm8 =	vcmask $0x1F1C;
	s4 =	smul.u32 $0x680, s2;
	s22 =	sadd.s32 s5, s10;
	[dreg:$0x5] =	wrdreg s21;
	v0 =	vsel vm7, $0x300, v0  }
0xd: {  	vm9 =	vcmask $0x2320;
	s17 =	sadd.s32 $0x18000, s7;
	s23 =	sadd.s32 s5, s11;
	[dreg:$0x6] =	wrdreg s22;
	v0 =	vsel vm8, $0x380, v0  }
0xe: {  	vm10 =	vcmask $0x2724;
	s6 =	sadd.s32 s4, s1;
	s24 =	sadd.s32 s5, s14;
	[dreg:$0x7] =	wrdreg s23;
	v0 =	vsel vm9, $0x1000, v0  }
0xf: {  	vm11 =	vcmask $0x2B28;
	s4 =	sadd.s32 $0xF4FC00, s1;
	s25 =	sadd.s32 s5, s16;
	[dreg:$0x8] =	wrdreg s24;
	v0 =	vsel vm10, $0x1080, v0  }
0x10: {  	vm12 =	vcmask $0x2F2C;
	s26 =	sadd.s32 s5, s17;
	s0 =	smax.u32 s0, $0x1;
	[dreg:$0x9] =	wrdreg s25;
	v0 =	vsel vm11, $0x1100, v0  }
0x11: {  	vm13 =	vcmask $0x3330;
	s1 =	simm.s32 $0xD400;
	s19 =	sadd.s32 $0x800, s6;
	[dreg:$0xa] =	wrdreg s26;
	v0 =	vsel vm12, $0x1180, v0  }
0x12: {  	vm14 =	vcmask $0x3734;
	s20 =	sadd.s32 $0x1C000, s7;
	[dreg:$0xc] =	wrdreg s0;
	s26 =	simm.s32 $0x1;
	v0 =	vsel vm13, $0x1200, v0  }
0x13: {  	vm15 =	vcmask $0x3B38;
	s0 =	simm.s32 $0xE400;
	[dreg:$0x3] =	wrdreg s19;
	s31 =	sadd.s32 s5, s20;
	v0 =	vsel vm14, $0x1280, v0  }
0x14: {  	s6 =	simm.s32 $0xF400;
	s7 =	simm.s32 $0x10400;
	[dreg:$0xb] =	wrdreg s31;
	v0 =	vsel vm15, $0x1300, v0  }
.LBB2_1:
0x15: {  	[dreg:$0xd] =	wrdreg s18  }
0x16: {  	s2 =	rddreg [dreg:$0x3];
	s24 =	simm.s32 $0x5  }
0x17: {  	[tilespmem:s3], [sflag:$0x5] =	stream.linear.gather [hbm4b:s2+s3], $0x3400, $0x38;
	[tilespmem:$0x13400] =	vst v63  }
0x18: {  	_ =	swait.ge [sflag:s24], $0x3400  }
0x19: {  	[sflag:s24] =	ssyncset.done $0x0  }
0x1a: {  	s25 =	simm.s32 $0x3400;
	[sflag:s24] =	ssyncadd.s32 $0xFFFFCC00  }
0x1b: {  	[tilespmem:s25], [sflag:$0x1] =	stream.indirect.gather [hbm4b:s4+s30], $0x20, s3, s30, $0xb8;
	[tilespmem:$0x13400] =	vst v63  }
0x1c: {  	s31 =	simm.s32 $0x7400  }
0x1d: {  	[tilespmem:s31], [sflag:$0x2] =	stream.indirect.gather [hbm4b:s4+s30], $0x20, s30, s30, $0xb8;
	[tilespmem:$0x13400] =	vst v63  }
0x1e: {  	_ =	swait.ge [sflag:s26], $0x4000  }
0x1f: {  	s19 =	simm.s32 $0x0;
	[sflag:s26] =	ssyncset.done $0x0  }
0x20: {  	s21 =	simm.s32 $0x3400;
	s22 =	simm.s32 $0x0;
	[sflag:s26] =	ssyncadd.s32 $0xFFFFC000  }
.LBB2_2:
0x21: {  	v1 =	vmov s21;
	_ =	sdelay $0x3  }
0x22: {  	s2 =	simm.s32 $0x0  }
0x23: {  	v3 =	vor.u32 s19, v0;
	v2 =	vld.idx.msk [tilespmem:v1+s2+$0x0 ss:$0x1], $0xffff;
	_ =	sdelay $0x4  }
0x24: {  	s18 =	sadd.s32 $0x2000, s19;
	[tilespmem:v3+s28+$0x0] =	vst.idx.msk $0xffff, v2  }
0x25: {  	v3 =	vor.u32 s18, v0;
	v2 =	vld.idx.msk [tilespmem:v1+s2+$0x10 ss:$0x1], $0xffff;
	_ =	sdelay $0x4  }
0x26: {  	s24 =	simm.s32 $0x20;
	s23 =	simm.s32 $0x100;
	s25 =	smov.u32 s19;
	[tilespmem:v3+s28+$0x0] =	vst.idx.msk $0xffff, v2  }
.LBB2_3:
0x27: {  	p0 =	sne.s32 s23, $0x3F80;
	v2 =	vld.idx.msk [tilespmem:v1+s24+$0x0 ss:$0x1], $0xffff;
	s25 =	sadd.s32 $0x1, s25  }
0x28: {  	v3 =	vor.u32 s25, v0;
	_ =	sdelay $0x4  }
0x29: {  	[tilespmem:v3+s28+$0x0] =	vst.idx.msk $0xffff, v2  }
0x2a: {  	s2 =	sadd.s32 $0x2000, s25;
	v2 =	vld.idx.msk [tilespmem:v1+s24+$0x10 ss:$0x1], $0xffff  }
0x2b: {  	v3 =	vor.u32 s2, v0  }
.Ltmp0:
0x2c: {  	(pc) =	sbr.rel @p0 .LBB2_3-.Ltmp0, $2  }
0x2d: {  	_ =	sdelay $0x2  }
0x2e: {  	s24 =	sshra.s32 s23, $0x2;
	s23 =	sadd.s32 $0x80, s23;
	[tilespmem:v3+s28+$0x0] =	vst.idx.msk $0xffff, v2  }
0x2f: {  	_ =	sdelay $0x2  }
0x30: {  	s2 =	sadd.s32 $0x1, s25  }
0x31: {  	v2 =	vld.idx.msk [tilespmem:v1+s24+$0x0 ss:$0x1], $0xffff;
	v3 =	vor.u32 s2, v0;
	_ =	sdelay $0x4  }
0x32: {  	s22 =	sadd.s32 $0x1, s22;
	s2 =	sadd.s32 $0x2000, s2;
	[tilespmem:v3+s28+$0x0] =	vst.idx.msk $0xffff, v2  }
0x33: {  	p0 =	sne.s32 s22, $0x4;
	v2 =	vor.u32 s2, v0;
	v1 =	vld.idx.msk [tilespmem:v1+s24+$0x10 ss:$0x1], $0xffff  }
.Ltmp1:
0x34: {  	_ = 	snop;
	(pc) =	sbr.rel @p0 .LBB2_2-.Ltmp1, $2  }
0x35: {  	_ =	sdelay $0x2  }
0x36: {  	s21 =	sadd.s32 $0x1000, s21;
	s19 =	sadd.s32 $0x400, s19;
	[tilespmem:v2+s28+$0x0] =	vst.idx.msk $0xffff, v1  }
0x37: {  	s2 =	simm.s32 $0x400;
	s18 =	simm.s32 $0x3400  }
0x38: {  	[tilespmem:s18], [sflag:$0x1] =	stream.indirect.gather [hbm4b:s4+s30], $0x20, s2, s30, $0xb8;
	[tilespmem:$0x13400] =	vst v63  }
0x39: {  	s19 =	simm.s32 $0x0;
	s22 =	rddreg [dreg:$0x4]  }
0x3a: {  	[hbm4b:s22+s19] =	stream.linear.scatter [tilespmem:s28], [sflag:$0x3], $0x1000, $0x38;
	[tilespmem:$0x13400] =	vst v63  }
0x3b: {  	s23 =	rddreg [dreg:$0x5];
	s24 =	simm.s32 $0xC400  }
0x3c: {  	[hbm4b:s23+s19] =	stream.linear.scatter [tilespmem:s24], [sflag:$0x3], $0x1000, $0x38;
	[tilespmem:$0x13400] =	vst v63  }
0x3d: {  	s25 =	rddreg [dreg:$0x6]  }
0x3e: {  	[hbm4b:s25+s19] =	stream.linear.scatter [tilespmem:s1], [sflag:$0x3], $0x1000, $0x38;
	[tilespmem:$0x13400] =	vst v63  }
0x3f: {  	s31 =	rddreg [dreg:$0x7]  }
0x40: {  	[hbm4b:s31+s19] =	stream.linear.scatter [tilespmem:s0], [sflag:$0x3], $0x1000, $0x38;
	[tilespmem:$0x13400] =	vst v63  }
0x41: {  	_ =	swait.ge [sflag:s29], $0x4000  }
0x42: {  	[sflag:s29] =	ssyncset.done $0x0  }
0x43: {  	s21 =	simm.s32 $0x7400;
	s22 =	simm.s32 $0x0;
	[sflag:s29] =	ssyncadd.s32 $0xFFFFC000  }
.LBB2_6:
0x44: {  	v1 =	vmov s21;
	_ =	sdelay $0x3  }
0x45: {  	s2 =	simm.s32 $0x0  }
0x46: {  	v3 =	vor.u32 s19, v0;
	v2 =	vld.idx.msk [tilespmem:v1+s2+$0x0 ss:$0x1], $0xffff;
	_ =	sdelay $0x4  }
0x47: {  	s18 =	sadd.s32 $0x2000, s19;
	[tilespmem:v3+s6+$0x0] =	vst.idx.msk $0xffff, v2  }
0x48: {  	v3 =	vor.u32 s18, v0;
	v2 =	vld.idx.msk [tilespmem:v1+s2+$0x10 ss:$0x1], $0xffff;
	_ =	sdelay $0x4  }
0x49: {  	s24 =	simm.s32 $0x20;
	s23 =	simm.s32 $0x100;
	s25 =	smov.u32 s19;
	[tilespmem:v3+s6+$0x0] =	vst.idx.msk $0xffff, v2  }
.LBB2_7:
0x4a: {  	p0 =	sne.s32 s23, $0x3F80;
	v2 =	vld.idx.msk [tilespmem:v1+s24+$0x0 ss:$0x1], $0xffff;
	s25 =	sadd.s32 $0x1, s25  }
0x4b: {  	v3 =	vor.u32 s25, v0;
	_ =	sdelay $0x4  }
0x4c: {  	[tilespmem:v3+s6+$0x0] =	vst.idx.msk $0xffff, v2  }
0x4d: {  	s2 =	sadd.s32 $0x2000, s25;
	v2 =	vld.idx.msk [tilespmem:v1+s24+$0x10 ss:$0x1], $0xffff  }
0x4e: {  	v3 =	vor.u32 s2, v0  }
.Ltmp2:
0x4f: {  	(pc) =	sbr.rel @p0 .LBB2_7-.Ltmp2, $2  }
0x50: {  	_ =	sdelay $0x2  }
0x51: {  	s24 =	sshra.s32 s23, $0x2;
	s23 =	sadd.s32 $0x80, s23;
	[tilespmem:v3+s6+$0x0] =	vst.idx.msk $0xffff, v2  }
0x52: {  	_ =	sdelay $0x2  }
0x53: {  	s2 =	sadd.s32 $0x1, s25  }
0x54: {  	v2 =	vld.idx.msk [tilespmem:v1+s24+$0x0 ss:$0x1], $0xffff;
	v3 =	vor.u32 s2, v0;
	_ =	sdelay $0x4  }
0x55: {  	s22 =	sadd.s32 $0x1, s22;
	s2 =	sadd.s32 $0x2000, s2;
	[tilespmem:v3+s6+$0x0] =	vst.idx.msk $0xffff, v2  }
0x56: {  	p0 =	sne.s32 s22, $0x4;
	v2 =	vor.u32 s2, v0;
	v1 =	vld.idx.msk [tilespmem:v1+s24+$0x10 ss:$0x1], $0xffff  }
.Ltmp3:
0x57: {  	_ = 	snop;
	(pc) =	sbr.rel @p0 .LBB2_6-.Ltmp3, $2  }
0x58: {  	_ =	sdelay $0x2  }
0x59: {  	s21 =	sadd.s32 $0x1000, s21;
	s19 =	sadd.s32 $0x400, s19;
	[tilespmem:v2+s6+$0x0] =	vst.idx.msk $0xffff, v1  }
0x5a: {  	s2 =	simm.s32 $0x7400;
	s18 =	simm.s32 $0x600  }
0x5b: {  	[tilespmem:s2], [sflag:$0x2] =	stream.indirect.gather [hbm4b:s4+s30], $0x20, s18, s30, $0xb8;
	[tilespmem:$0x13400] =	vst v63  }
0x5c: {  	s24 =	rddreg [dreg:$0x8]  }
0x5d: {  	[hbm4b:s24+s3] =	stream.linear.scatter [tilespmem:s6], [sflag:$0x4], $0x1000, $0x38;
	[tilespmem:$0x13400] =	vst v63  }
0x5e: {  	s25 =	rddreg [dreg:$0x9]  }
0x5f: {  	[hbm4b:s25+s3] =	stream.linear.scatter [tilespmem:s7], [sflag:$0x4], $0x1000, $0x38;
	[tilespmem:$0x13400] =	vst v63  }
0x60: {  	s30 =	rddreg [dreg:$0xa]  }
0x61: {  	[hbm4b:s30+s3] =	stream.linear.scatter [tilespmem:s9], [sflag:$0x4], $0x1000, $0x38;
	[tilespmem:$0x13400] =	vst v63  }
0x62: {  	s31 =	rddreg [dreg:$0xb];
	s19 =	simm.s32 $0x1  }
0x63: {  	[hbm4b:s31+s3] =	stream.linear.scatter [tilespmem:s12], [sflag:$0x4], $0x1000, $0x38;
	[tilespmem:$0x13400] =	vst v63  }
.LBB2_10:
0x64: {  	_ =	swait.ge [sflag:s26], $0x4000  }
0x65: {  	[sflag:s26] =	ssyncset.done $0x0  }
0x66: {  	[sflag:s26] =	ssyncadd.s32 $0xFFFFC000  }
0x67: {  	_ =	swait.ge [sflag:s13], $0x1000  }
0x68: {  	[sflag:s13] =	ssyncset.done $0x0  }
0x69: {  	[sflag:s13] =	ssyncadd.s32 $0xFFFFF000  }
0x6a: {  	_ =	swait.ge [sflag:s13], $0x1000  }
0x6b: {  	[sflag:s13] =	ssyncset.done $0x0  }
0x6c: {  	[sflag:s13] =	ssyncadd.s32 $0xFFFFF000  }
0x6d: {  	_ =	swait.ge [sflag:s13], $0x1000  }
0x6e: {  	[sflag:s13] =	ssyncset.done $0x0  }
0x6f: {  	[sflag:s13] =	ssyncadd.s32 $0xFFFFF000  }
0x70: {  	_ =	swait.ge [sflag:s13], $0x1000  }
0x71: {  	s21 =	simm.s32 $0x3400;
	[sflag:s13] =	ssyncset.done $0x0  }
0x72: {  	s22 =	simm.s32 $0x0;
	s25 =	simm.s32 $0x0;
	[sflag:s13] =	ssyncadd.s32 $0xFFFFF000  }
.LBB2_11:
0x73: {  	v1 =	vmov s21;
	_ =	sdelay $0x3  }
0x74: {  	s2 =	simm.s32 $0x0  }
0x75: {  	v3 =	vor.u32 s22, v0;
	v2 =	vld.idx.msk [tilespmem:v1+s2+$0x0 ss:$0x1], $0xffff;
	_ =	sdelay $0x4  }
0x76: {  	s18 =	sadd.s32 $0x2000, s22;
	[tilespmem:v3+s28+$0x0] =	vst.idx.msk $0xffff, v2  }
0x77: {  	v3 =	vor.u32 s18, v0;
	v2 =	vld.idx.msk [tilespmem:v1+s2+$0x10 ss:$0x1], $0xffff;
	_ =	sdelay $0x4  }
0x78: {  	s24 =	simm.s32 $0x20;
	s23 =	simm.s32 $0x100;
	s30 =	smov.u32 s22;
	[tilespmem:v3+s28+$0x0] =	vst.idx.msk $0xffff, v2  }
.LBB2_12:
0x79: {  	p0 =	sne.s32 s23, $0x3F80;
	v2 =	vld.idx.msk [tilespmem:v1+s24+$0x0 ss:$0x1], $0xffff;
	s30 =	sadd.s32 $0x1, s30  }
0x7a: {  	v3 =	vor.u32 s30, v0;
	_ =	sdelay $0x4  }
0x7b: {  	[tilespmem:v3+s28+$0x0] =	vst.idx.msk $0xffff, v2  }
0x7c: {  	s2 =	sadd.s32 $0x2000, s30;
	v2 =	vld.idx.msk [tilespmem:v1+s24+$0x10 ss:$0x1], $0xffff  }
0x7d: {  	v3 =	vor.u32 s2, v0  }
.Ltmp4:
0x7e: {  	(pc) =	sbr.rel @p0 .LBB2_12-.Ltmp4, $2  }
0x7f: {  	_ =	sdelay $0x2  }
0x80: {  	s24 =	sshra.s32 s23, $0x2;
	s23 =	sadd.s32 $0x80, s23;
	[tilespmem:v3+s28+$0x0] =	vst.idx.msk $0xffff, v2  }
0x81: {  	_ =	sdelay $0x2  }
0x82: {  	s2 =	sadd.s32 $0x1, s30  }
0x83: {  	v2 =	vld.idx.msk [tilespmem:v1+s24+$0x0 ss:$0x1], $0xffff;
	v3 =	vor.u32 s2, v0;
	_ =	sdelay $0x4  }
0x84: {  	s25 =	sadd.s32 $0x1, s25;
	s2 =	sadd.s32 $0x2000, s2;
	[tilespmem:v3+s28+$0x0] =	vst.idx.msk $0xffff, v2  }
0x85: {  	p0 =	sne.s32 s25, $0x4;
	v2 =	vor.u32 s2, v0;
	v1 =	vld.idx.msk [tilespmem:v1+s24+$0x10 ss:$0x1], $0xffff  }
.Ltmp5:
0x86: {  	_ = 	snop;
	(pc) =	sbr.rel @p0 .LBB2_11-.Ltmp5, $2  }
0x87: {  	_ =	sdelay $0x2  }
0x88: {  	s21 =	sadd.s32 $0x1000, s21;
	s22 =	sadd.s32 $0x400, s22;
	[tilespmem:v2+s28+$0x0] =	vst.idx.msk $0xffff, v1  }
0x89: {  	p0 =	seq.s32 s19, $0xC  }
0x8a: {  	s18 =	sshll.u32 s19, $0x11;
	s2 =	sshll.u32 @!p0 s19, $0xA  }
0x8b: {  	s22 =	simm.s32 @!p0 $0x200;
	s23 =	simm.s32 @!p0 $0x3400;
	s21 =	sand.u32 @!p0 $0x3FFFFC00, s2  }
0x8c: {  	s25 =	sor.u32 s5, s18;
	s18 =	rddreg [dreg:$0x1];
	s2 =	sadd.s32 @!p0 $0x400, s21  }
0x8d: {  	[tilespmem:s23], [sflag:$0x1] =	stream.indirect.gather @!p0 [hbm4b:s4+s22], $0x20, s2, s22, $0xb8;
	[tilespmem:$0x13400] =	vst v63  }
0x8e: {  	s18 =	sadd.s32 s18, s25;
	s2 =	simm.s32 $0x0  }
0x8f: {  	[hbm4b:s18+s2] =	stream.linear.scatter [tilespmem:s28], [sflag:$0x3], $0x1000, $0x38;
	[tilespmem:$0x13400] =	vst v63  }
0x90: {  	s22 =	sadd.s32 s25, s8;
	s23 =	simm.s32 $0xC400  }
0x91: {  	[hbm4b:s22+s2] =	stream.linear.scatter [tilespmem:s23], [sflag:$0x3], $0x1000, $0x38;
	[tilespmem:$0x13400] =	vst v63  }
0x92: {  	s24 =	sadd.s32 s25, s10  }
0x93: {  	[hbm4b:s24+s2] =	stream.linear.scatter [tilespmem:s1], [sflag:$0x3], $0x1000, $0x38;
	[tilespmem:$0x13400] =	vst v63  }
0x94: {  	s31 =	sadd.s32 s25, s11  }
0x95: {  	[hbm4b:s31+s2] =	stream.linear.scatter [tilespmem:s0], [sflag:$0x3], $0x1000, $0x38;
	[tilespmem:$0x13400] =	vst v63  }
0x96: {  	_ =	swait.ge [sflag:s29], $0x4000  }
0x97: {  	[sflag:s29] =	ssyncset.done $0x0  }
0x98: {  	[sflag:s29] =	ssyncadd.s32 $0xFFFFC000  }
0x99: {  	_ =	swait.ge [sflag:s15], $0x1000  }
0x9a: {  	[sflag:s15] =	ssyncset.done $0x0  }
0x9b: {  	[sflag:s15] =	ssyncadd.s32 $0xFFFFF000  }
0x9c: {  	_ =	swait.ge [sflag:s15], $0x1000  }
0x9d: {  	[sflag:s15] =	ssyncset.done $0x0  }
0x9e: {  	[sflag:s15] =	ssyncadd.s32 $0xFFFFF000  }
0x9f: {  	_ =	swait.ge [sflag:s15], $0x1000  }
0xa0: {  	[sflag:s15] =	ssyncset.done $0x0  }
0xa1: {  	[sflag:s15] =	ssyncadd.s32 $0xFFFFF000  }
0xa2: {  	_ =	swait.ge [sflag:s15], $0x1000  }
0xa3: {  	[sflag:s15] =	ssyncset.done $0x0  }
0xa4: {  	s30 =	simm.s32 $0x7400;
	s23 =	simm.s32 $0x0;
	[sflag:s15] =	ssyncadd.s32 $0xFFFFF000  }
.LBB2_15:
0xa5: {  	v1 =	vmov s30;
	_ =	sdelay $0x3  }
0xa6: {  	s18 =	simm.s32 $0x0  }
0xa7: {  	v3 =	vor.u32 s2, v0;
	v2 =	vld.idx.msk [tilespmem:v1+s18+$0x0 ss:$0x1], $0xffff;
	_ =	sdelay $0x4  }
0xa8: {  	s22 =	sadd.s32 $0x2000, s2;
	[tilespmem:v3+s6+$0x0] =	vst.idx.msk $0xffff, v2  }
0xa9: {  	v3 =	vor.u32 s22, v0;
	v2 =	vld.idx.msk [tilespmem:v1+s18+$0x10 ss:$0x1], $0xffff;
	_ =	sdelay $0x4  }
0xaa: {  	s24 =	simm.s32 $0x100;
	s22 =	smov.u32 s2;
	s18 =	simm.s32 $0x20;
	[tilespmem:v3+s6+$0x0] =	vst.idx.msk $0xffff, v2  }
.LBB2_16:
0xab: {  	p1 =	sne.s32 s24, $0x3F80;
	v2 =	vld.idx.msk [tilespmem:v1+s18+$0x0 ss:$0x1], $0xffff;
	s22 =	sadd.s32 $0x1, s22  }
0xac: {  	v3 =	vor.u32 s22, v0;
	_ =	sdelay $0x4  }
0xad: {  	[tilespmem:v3+s6+$0x0] =	vst.idx.msk $0xffff, v2  }
0xae: {  	s31 =	sadd.s32 $0x2000, s22;
	v2 =	vld.idx.msk [tilespmem:v1+s18+$0x10 ss:$0x1], $0xffff  }
0xaf: {  	v3 =	vor.u32 s31, v0  }
.Ltmp6:
0xb0: {  	(pc) =	sbr.rel @p1 .LBB2_16-.Ltmp6, $2  }
0xb1: {  	_ =	sdelay $0x2  }
0xb2: {  	s18 =	sshra.s32 s24, $0x2;
	s24 =	sadd.s32 $0x80, s24;
	[tilespmem:v3+s6+$0x0] =	vst.idx.msk $0xffff, v2  }
0xb3: {  	_ =	sdelay $0x2  }
0xb4: {  	s22 =	sadd.s32 $0x1, s22  }
0xb5: {  	v2 =	vld.idx.msk [tilespmem:v1+s18+$0x0 ss:$0x1], $0xffff;
	v3 =	vor.u32 s22, v0;
	_ =	sdelay $0x4  }
0xb6: {  	s23 =	sadd.s32 $0x1, s23;
	s22 =	sadd.s32 $0x2000, s22;
	[tilespmem:v3+s6+$0x0] =	vst.idx.msk $0xffff, v2  }
0xb7: {  	p1 =	sne.s32 s23, $0x4;
	v2 =	vor.u32 s22, v0;
	v1 =	vld.idx.msk [tilespmem:v1+s18+$0x10 ss:$0x1], $0xffff  }
.Ltmp7:
0xb8: {  	_ = 	snop;
	(pc) =	sbr.rel @p1 .LBB2_15-.Ltmp7, $2  }
0xb9: {  	_ =	sdelay $0x2  }
0xba: {  	s30 =	sadd.s32 $0x1000, s30;
	s2 =	sadd.s32 $0x400, s2;
	[tilespmem:v2+s6+$0x0] =	vst.idx.msk $0xffff, v1  }
0xbb: {  	s2 =	sadd.s32 @!p0 $0x600, s21;
	s18 =	simm.s32 @!p0 $0x200;
	s21 =	simm.s32 @!p0 $0x7400  }
0xbc: {  	[tilespmem:s21], [sflag:$0x2] =	stream.indirect.gather @!p0 [hbm4b:s4+s18], $0x20, s2, s18, $0xb8;
	[tilespmem:$0x13400] =	vst v63  }
0xbd: {  	s23 =	sadd.s32 s25, s14;
	s19 =	sadd.s32 $0x1, s19  }
0xbe: {  	[hbm4b:s23+s3] =	stream.linear.scatter [tilespmem:s6], [sflag:$0x4], $0x1000, $0x38;
	[tilespmem:$0x13400] =	vst v63  }
0xbf: {  	s24 =	sadd.s32 s25, s16;
	p0 =	sne.s32 s19, $0xD  }
0xc0: {  	[hbm4b:s24+s3] =	stream.linear.scatter [tilespmem:s7], [sflag:$0x4], $0x1000, $0x38;
	[tilespmem:$0x13400] =	vst v63  }
.Ltmp8:
0xc1: {  	_ = 	snop;
	(pc) =	sbr.rel @p0 .LBB2_10-.Ltmp8, $4  }
0xc2: {  	s30 =	sadd.s32 s25, s17  }
0xc3: {  	[hbm4b:s30+s3] =	stream.linear.scatter [tilespmem:s9], [sflag:$0x4], $0x1000, $0x38;
	[tilespmem:$0x13400] =	vst v63  }
0xc4: {  	s31 =	sadd.s32 s25, s20  }
0xc5: {  	[hbm4b:s31+s3] =	stream.linear.scatter [tilespmem:s12], [sflag:$0x4], $0x1000, $0x38;
	[tilespmem:$0x13400] =	vst v63  }
0xc6: {  	_ =	swait.ge [sflag:s13], $0x1000  }
0xc7: {  	[sflag:s13] =	ssyncset.done $0x0  }
0xc8: {  	[sflag:s13] =	ssyncadd.s32 $0xFFFFF000  }
0xc9: {  	_ =	swait.ge [sflag:s13], $0x1000  }
0xca: {  	[sflag:s13] =	ssyncset.done $0x0  }
0xcb: {  	[sflag:s13] =	ssyncadd.s32 $0xFFFFF000  }
0xcc: {  	_ =	swait.ge [sflag:s13], $0x1000  }
0xcd: {  	[sflag:s13] =	ssyncset.done $0x0  }
0xce: {  	[sflag:s13] =	ssyncadd.s32 $0xFFFFF000  }
0xcf: {  	_ =	swait.ge [sflag:s13], $0x1000  }
0xd0: {  	[sflag:s13] =	ssyncset.done $0x0  }
0xd1: {  	[sflag:s13] =	ssyncadd.s32 $0xFFFFF000  }
0xd2: {  	_ =	swait.ge [sflag:s15], $0x1000  }
0xd3: {  	[sflag:s15] =	ssyncset.done $0x0  }
0xd4: {  	[sflag:s15] =	ssyncadd.s32 $0xFFFFF000  }
0xd5: {  	_ =	swait.ge [sflag:s15], $0x1000  }
0xd6: {  	[sflag:s15] =	ssyncset.done $0x0  }
0xd7: {  	[sflag:s15] =	ssyncadd.s32 $0xFFFFF000  }
0xd8: {  	_ =	swait.ge [sflag:s15], $0x1000  }
0xd9: {  	[sflag:s15] =	ssyncset.done $0x0  }
0xda: {  	[sflag:s15] =	ssyncadd.s32 $0xFFFFF000  }
0xdb: {  	_ =	swait.ge [sflag:s15], $0x1000  }
0xdc: {  	s18 =	rddreg [dreg:$0xd]  }
0xdd: {  	s2 =	rddreg [dreg:$0xc];
	s18 =	sadd.s32 $0x1, s18  }
0xde: {  	p0 =	sne.s32 s18, s2  }
.Ltmp9:
0xdf: {  	_ = 	snop;
	(pc) =	sbr.rel @p0 .LBB2_1-.Ltmp9, $3  }
0xe0: {  	_ =	sdelay $0x1  }
0xe1: {  	[sflag:s15] =	ssyncset.done $0x0  }
0xe2: {  	s30 =	simm.s32 $0x200;
	[sflag:s15] =	ssyncadd.s32 $0xFFFFF000  }
0xe3: {  	_ =	sfence.sel $0x180000  }
0xe4: {  	[bflag:$0x0] =	sbarrier.arrive $0xFFFF  }
0xe5: {  	_ =	strace $0x9000004A  }
0xe6: {  	s0 =	stileid.u32;
	[bflag:$0x2] =	sbarrier.arrive $0xFFFF  }
0xe7: {  	p0 =	sne.s32 s0, $0x0;
	s0 =	rddreg [dreg:$0x2]  }
0xe8: {  	s0 =	sadd.s32 @!p0 $0x100000, s0  }
0xe9: {  	[sflag:s0] =	ssyncadd.tile.s32 @!p0 $0x1;
	_ =	shalt  }
.Lfunc_end2:
_tile_overlayer_lowered:
.L_overlay_start_2:
0xea: {  	(tag) =	ssettag $0x2  }
0xeb: {  	s0 =	rddreg [dreg:$0x0];
	s2 =	stileid.u32  }
0xec: {  	s1 =	rddreg [dreg:$0x1];
	p0 =	sne.s32 s2, $0x0  }
0xed: {  	s3 =	rddreg [dreg:$0x2];
	[bflag:$0x3] =	sbarrier.arrive $0xFFFF;
	s2 =	simm.s32 @!p0 $0x1C05  }
0xee: {  	[timem:s3], [sflag:s2] =	dma.local @!p0 [hbm:s0], s1  }
0xef: {  	s0 =	simm.s32 @!p0 $0x5  }
0xf0: {  	_ =	swait.ge @!p0 [sflag:s0], s1  }
0xf1: {  	s1 =	ssub.s32 @!p0 $0x0, s1;
	[sflag:s0] =	ssyncset.done @!p0 $0x0  }
0xf2: {  	[sflag:s0] =	ssyncadd.s32 @!p0 s1  }
0xf3: {  	[bflag:$0x3] =	sbarrier.arrive $0xFFFF  }
0xf4: {  	_ =	shalt  }

</sc_bundles>
